<compile_context>
chip_gen: v7x
topology: tpu7x:2x2x1
jax: 0.10.2.dev20260603
libtpu: 0.0.44.dev20260713+nightly
codegen_flags: <defaults>
</compile_context>

<pallas_src>
import functools

import jax
import jax.numpy as jnp
from jax import lax
from jax.experimental import pallas as pl
from jax.experimental.pallas import tpu as pltpu
from jax.experimental.pallas import tpu_sc as plsc

S = 2048
D = 1024
E = 16
EH = E // 2
F = 1024
C = 128
EC = E * C
HC = EC // 2
RB = 512
NR = S // RB
NC = 2
NS = 16
NW = NC * NS
SPW = HC // NW

_GMASK = -4096


def _router_body(x_ref, wg_ref, pk_ref, laux_ref, cnt_ref, qc_ref,
                 carry_ref, acc_ref, dcarry_ref):
    i = pl.program_id(0)

    @pl.when(i == 0)
    def _():
        carry_ref[...] = jnp.zeros((1, E), jnp.float32)
        acc_ref[...] = jnp.zeros((1, E), jnp.float32)
        dcarry_ref[...] = jnp.zeros((1, 1), jnp.float32)

    x = x_ref[...]
    wg = wg_ref[...]
    logits = jnp.dot(x, wg, preferred_element_type=jnp.float32)
    mx = jnp.max(logits, axis=1, keepdims=True)
    p = jnp.exp(logits - mx)
    gates = p / jnp.sum(p, axis=1, keepdims=True)
    gmax = jnp.max(gates, axis=1, keepdims=True)
    ie = lax.broadcasted_iota(jnp.int32, (RB, E), 1)
    idx1 = jnp.min(jnp.where(gates == gmax, ie, E), axis=1, keepdims=True)
    oh = (ie == idx1).astype(jnp.float32)

    carry = carry_ref[...]
    tri = (lax.broadcasted_iota(jnp.int32, (RB, RB), 0) >=
           lax.broadcasted_iota(jnp.int32, (RB, RB), 1)).astype(jnp.float32)
    incl = jnp.dot(tri, oh, preferred_element_type=jnp.float32) + carry
    pos = incl - 1.0
    pos_s = jnp.sum(pos * oh, axis=1, keepdims=True)
    kept = pos_s < C

    dmask = jnp.where(kept, 0.0, 1.0)
    dincl = (jnp.dot(tri, dmask, preferred_element_type=jnp.float32)
             + dcarry_ref[...])
    drank = (dincl - 1.0).astype(jnp.int32)
    dcarry_ref[...] = dcarry_ref[...] + jnp.sum(dmask, axis=0, keepdims=True)

    gbits = lax.bitcast_convert_type(gmax, jnp.int32) & _GMASK
    slot = idx1 * C + pos_s.astype(jnp.int32)
    pkw = jnp.where(kept, gbits | slot, (drank << 12) | 4095)
    pk_ref[...] = pkw.reshape(1, RB // 128, 128)

    counts = carry + jnp.sum(oh, axis=0, keepdims=True)
    carry_ref[...] = counts
    me = acc_ref[...] + jnp.sum(gates, axis=0, keepdims=True)
    acc_ref[...] = me

    @pl.when(i == NR - 1)
    def _():
        cnt_post = jnp.minimum(counts, C)
        cnt_ref[...] = cnt_post.astype(jnp.int32)
        laux_ref[...] = jnp.sum(me * counts, axis=1,
                                keepdims=True) * (E / (S * S))
        ut = (lax.broadcasted_iota(jnp.int32, (E, E), 0) <=
              lax.broadcasted_iota(jnp.int32, (E, E), 1)).astype(jnp.float32)
        q = jnp.dot(cnt_post, ut,
                    preferred_element_type=jnp.float32).astype(jnp.int32)
        qc_ref[...] = (q << 8) | cnt_post.astype(jnp.int32)


_router = pl.pallas_call(
    _router_body,
    grid=(NR,),
    in_specs=[
        pl.BlockSpec((RB, D), lambda i: (i, 0)),
        pl.BlockSpec((D, E), lambda i: (0, 0)),
    ],
    out_specs=[
        pl.BlockSpec((1, RB // 128, 128), lambda i: (i, 0, 0)),
        pl.BlockSpec((1, 1), lambda i: (0, 0)),
        pl.BlockSpec((1, E), lambda i: (0, 0)),
        pl.BlockSpec((1, E), lambda i: (0, 0)),
    ],
    out_shape=[
        jax.ShapeDtypeStruct((NR, RB // 128, 128), jnp.int32),
        jax.ShapeDtypeStruct((1, 1), jnp.float32),
        jax.ShapeDtypeStruct((1, E), jnp.int32),
        jax.ShapeDtypeStruct((1, E), jnp.int32),
    ],
    scratch_shapes=[
        pltpu.VMEM((1, E), jnp.float32),
        pltpu.VMEM((1, E), jnp.float32),
        pltpu.VMEM((1, 1), jnp.float32),
    ],
)


def _make_dispatch_body(half):
    def body(x_hbm, pk_hbm, qc_hbm, xd_hbm, gps_hbm, tfso_hbm,
             apk_v, tab_v, dtok_v, qc_v, idxa_v, idxb_v, gps_v, tfso_v,
             ra_v, rb_v, semg, semwa, semwb):
        wid = lax.axis_index("s") * NC + lax.axis_index("c")
        lbase = wid * SPW
        base = half * HC + lbase
        e = base >> 7

        pltpu.sync_copy(pk_hbm, apk_v)
        pltpu.sync_copy(qc_hbm, qc_v)

        def init_body(j, _):
            tab_v[pl.ds(j * 16, 16)] = jnp.zeros((16,), jnp.int32)
            return 0

        lax.fori_loop(0, SPW // 16, init_body, 0)

        def scat_body(j, _):
            pk = apk_v[pl.ds(j * 16, 16)]
            sl = pk & 4095
            d = sl - base
            tok = lax.iota(jnp.int32, 16) + j * 16
            m = (d >= 0) & (d < SPW)
            plsc.store_scatter(tab_v, [d & (SPW - 1)], (pk & _GMASK) | tok,
                               mask=m)
            dr = (pk >> 12) & (S - 1)
            plsc.store_scatter(dtok_v, [dr], tok, mask=sl == 4095)
            return 0

        lax.fori_loop(0, S // 16, scat_body, 0)

        esplat = lax.iota(jnp.int32, 16) * 0 + e
        qcw = plsc.load_gather(qc_v, [esplat])
        cnt_e = qcw & 255
        q_e = qcw >> 8
        for j, idx_v in enumerate((idxa_v, idxb_v)):
            w = tab_v[pl.ds(j * 16, 16)]
            tok_tab = w & 4095
            idx_v[...] = tok_tab
            gps_v[pl.ds(j * 16, 16)] = lax.bitcast_convert_type(
                w & _GMASK, jnp.float32)
            t = lax.iota(jnp.int32, 16) + (base + j * 16)
            filled = (t & 127) < cnt_e
            re = (t - q_e) & (S - 1)
            dt = plsc.load_gather(dtok_v, [re])
            tfso_v[pl.ds(j * 16, 16)] = jnp.where(filled, tok_tab, dt)
        pltpu.sync_copy(gps_v, gps_hbm.at[pl.ds(lbase, SPW)])
        pltpu.sync_copy(tfso_v, tfso_hbm.at[pl.ds(lbase, SPW)])
        pltpu.async_copy(x_hbm.at[idxa_v], ra_v, semg).wait()
        wa = pltpu.async_copy(ra_v, xd_hbm.at[pl.ds(lbase, 16)], semwa)
        pltpu.async_copy(x_hbm.at[idxb_v], rb_v, semg).wait()
        wb = pltpu.async_copy(rb_v, xd_hbm.at[pl.ds(lbase + 16, 16)], semwb)
        wa.wait()
        wb.wait()

    return body


def _combine_body(ys_hbm, tfso_hbm, out_hbm,
                  idxa_v, idxb_v, ra_v, rb_v, semg, semwa, semwb):
    wid = lax.axis_index("s") * NC + lax.axis_index("c")
    lbase = wid * SPW

    pltpu.sync_copy(tfso_hbm.at[pl.ds(lbase, 16)], idxa_v)
    pltpu.sync_copy(tfso_hbm.at[pl.ds(lbase + 16, 16)], idxb_v)
    pltpu.async_copy(ys_hbm.at[pl.ds(lbase, 16)], ra_v, semg).wait()
    wa = pltpu.async_copy(ra_v, out_hbm.at[idxa_v], semwa)
    pltpu.async_copy(ys_hbm.at[pl.ds(lbase + 16, 16)], rb_v, semg).wait()
    wb = pltpu.async_copy(rb_v, out_hbm.at[idxb_v], semwb)
    wa.wait()
    wb.wait()


@functools.cache
def _sc_kernels():
    mesh = plsc.VectorSubcoreMesh(core_axis_name="c", subcore_axis_name="s",
                                  num_cores=NC, num_subcores=NS)
    params = pltpu.CompilerParams(needs_layout_passes=False)
    dispatches = [
        pl.kernel(
            _make_dispatch_body(h),
            out_type=[
                jax.ShapeDtypeStruct((HC, D), jnp.float32),
                jax.ShapeDtypeStruct((HC,), jnp.float32),
                jax.ShapeDtypeStruct((HC,), jnp.int32),
            ],
            mesh=mesh,
            compiler_params=params,
            name=f"dispatch{h}",
            scratch_types=[
                pltpu.VMEM((S,), jnp.int32),
                pltpu.VMEM((SPW,), jnp.int32),
                pltpu.VMEM((S,), jnp.int32),
                pltpu.VMEM((16,), jnp.int32),
                pltpu.VMEM((16,), jnp.int32),
                pltpu.VMEM((16,), jnp.int32),
                pltpu.VMEM((SPW,), jnp.float32),
                pltpu.VMEM((SPW,), jnp.int32),
                pltpu.VMEM((16, D), jnp.float32),
                pltpu.VMEM((16, D), jnp.float32),
                pltpu.SemaphoreType.DMA,
                pltpu.SemaphoreType.DMA,
                pltpu.SemaphoreType.DMA,
            ],
        )
        for h in (0, 1)
    ]
    combine = pl.kernel(
        _combine_body,
        mesh=mesh,
        compiler_params=params,
        name="combine",
        scratch_types=[
            pltpu.VMEM((16,), jnp.int32),
            pltpu.VMEM((16,), jnp.int32),
            pltpu.VMEM((16, D), jnp.float32),
            pltpu.VMEM((16, D), jnp.float32),
            pltpu.SemaphoreType.DMA,
            pltpu.SemaphoreType.DMA,
            pltpu.SemaphoreType.DMA,
        ],
    )
    return dispatches, combine


def _mlp_body(xd_ref, w1_ref, b1_ref, w2_ref, b2_ref, gps_ref, out_ref):
    xb = xd_ref[0]
    h = jnp.dot(xb, w1_ref[0], preferred_element_type=jnp.float32) + b1_ref[0]
    h = jax.nn.gelu(h)
    y = jnp.dot(h, w2_ref[0], preferred_element_type=jnp.float32) + b2_ref[0]
    out_ref[0] = y * gps_ref[0]


def _make_mlp(half):
    off = half * EH
    return pl.pallas_call(
        _mlp_body,
        grid=(EH,),
        in_specs=[
            pl.BlockSpec((1, C, D), lambda e: (e, 0, 0)),
            pl.BlockSpec((1, D, F), lambda e, o=off: (e + o, 0, 0)),
            pl.BlockSpec((1, 1, F), lambda e, o=off: (e + o, 0, 0)),
            pl.BlockSpec((1, F, D), lambda e, o=off: (e + o, 0, 0)),
            pl.BlockSpec((1, 1, D), lambda e, o=off: (e + o, 0, 0)),
            pl.BlockSpec((1, C, 1), lambda e: (e, 0, 0)),
        ],
        out_specs=pl.BlockSpec((1, C, D), lambda e: (e, 0, 0)),
        out_shape=jax.ShapeDtypeStruct((EH, C, D), jnp.float32),
    )


_mlp_a = _make_mlp(0)
_mlp_b = _make_mlp(1)


def kernel(hidden_states, wg, w1, b1, w2, b2):
    x = hidden_states.reshape(S, D)
    pk2, laux, cnt2, qc2 = _router(x, wg)
    pk = pk2.reshape(S)
    cnt = cnt2.reshape(E)
    qc = qc2.reshape(E)
    (_dispatch_a, _dispatch_b), _combine = _sc_kernels()
    xda, gpsa, tfsoa = _dispatch_a(x, pk, qc)
    outz = jnp.zeros((S, D), jnp.float32)
    pk_b, xda, outz = lax.optimization_barrier((pk, xda, outz))
    xdb, gpsb, tfsob = _dispatch_b(x, pk_b, qc)
    b1r = b1.reshape(E, 1, F)
    b2r = b2.reshape(E, 1, D)
    ysa = _mlp_a(xda.reshape(EH, C, D), w1, b1r, w2, b2r,
                 gpsa.reshape(EH, C, 1))
    ysb = _mlp_b(xdb.reshape(EH, C, D), w1, b1r, w2, b2r,
                 gpsb.reshape(EH, C, 1))
    out_ref = jax.new_ref(outz)
    _combine(ysa.reshape(HC, D), tfsoa, out_ref)
    _combine(ysb.reshape(HC, D), tfsob, out_ref)
    out = out_ref[...]
    return out.reshape(hidden_states.shape), laux.reshape(()), cnt

# --- scband reference (transcript-rebuilt; emitter-appended) ---
"""Pipeline reference for scband-mo-e-48808008352179 (READ-ONLY COPY).

The authoritative reference and input builder live on the scoring server;
editing this copy changes nothing except your own understanding.
"""

import jax, jax.numpy as jnp
import numpy as np

D_MODEL = 1024
NUM_EXPERTS = 16
D_FF = 1024
CAPACITY_FACTOR = 1.0
MIN_CAPACITY = 4


def setup_inputs(seed: int = 0):
    key = jax.random.key(seed)
    ks = jax.random.split(key, 6)
    hidden_states = jax.random.normal(ks[0], (1, 2048, D_MODEL), dtype=jnp.float32)
    wg = jax.random.normal(ks[1], (D_MODEL, NUM_EXPERTS), dtype=jnp.float32) * 0.02
    w1 = jax.random.normal(ks[2], (NUM_EXPERTS, D_MODEL, D_FF), dtype=jnp.float32) * 0.02
    b1 = jnp.zeros((NUM_EXPERTS, D_FF), dtype=jnp.float32)
    w2 = jax.random.normal(ks[3], (NUM_EXPERTS, D_FF, D_MODEL), dtype=jnp.float32) * 0.02
    b2 = jnp.zeros((NUM_EXPERTS, D_MODEL), dtype=jnp.float32)
    return {"hidden_states": hidden_states, "wg": wg, "w1": w1, "b1": b1, "w2": w2, "b2": b2}


def reference(hidden_states, wg, w1, b1, w2, b2):
    d_model = hidden_states.shape[-1]
    x = hidden_states.reshape(-1, d_model)
    S = x.shape[0]
    E = wg.shape[1]
    capacity = max(int(np.ceil(S / E * CAPACITY_FACTOR)), MIN_CAPACITY)
    # TopKGate (top-1, GShard-style) -----------------------------------
    logits = x @ wg
    gates = jax.nn.softmax(logits, axis=1)
    indices1 = jnp.argmax(gates, axis=1)
    mask1 = jax.nn.one_hot(indices1, E, dtype=jnp.float32)
    me = jnp.mean(gates, axis=0)
    ce = jnp.mean(mask1, axis=0)
    l_aux = jnp.sum(me * ce) * E
    locations1 = jnp.cumsum(mask1, axis=0) - 1.0
    # drop tokens that exceed expert capacity
    mask1 = mask1 * (locations1 < capacity).astype(jnp.float32)
    exp_counts = jnp.sum(mask1, axis=0).astype(jnp.int32)
    locations1_s = jnp.sum(locations1 * mask1, axis=1).astype(jnp.int32)
    gates1_s = jnp.sum(gates * mask1, axis=1)
    locations1_sc = jax.nn.one_hot(locations1_s, capacity, dtype=jnp.float32)
    combine_weights = (gates1_s[:, None] * mask1)[:, :, None] * locations1_sc[:, None, :]
    dispatch_mask = (combine_weights > 0).astype(jnp.float32)
    # MOELayer dispatch -> experts -> combine ---------------------------
    dispatched = jnp.einsum('sec,sm->ecm', dispatch_mask, x)
    h = jax.nn.gelu(jnp.einsum('ecm,emf->ecf', dispatched, w1) + b1[:, None, :])
    expert_out = jnp.einsum('ecf,efm->ecm', h, w2) + b2[:, None, :]
    combined = jnp.einsum('sec,ecm->sm', combine_weights, expert_out)
    output = combined.reshape(hidden_states.shape)
    return (output, l_aux, exp_counts)

if __name__ == "__main__":
    import jax
    _d = setup_inputs()
    print(jax.jit(kernel)(*tuple(_d.values())))

</pallas_src>

<mosaic_0001>
#map = affine_map<(d0, d1) -> (0, 0)>
#map1 = affine_map<(d0, d1) -> (0)>
module attributes {stable_mosaic.version = 14 : i64} {
  func.func @dispatch1(%arg0: i32, %arg1: i32, %arg2: memref<2048x1024xf32, #tpu.memory_space<hbm>>, %arg3: memref<2048xi32, #tpu.memory_space<hbm>>, %arg4: memref<16xi32, #tpu.memory_space<hbm>>, %arg5: memref<1024x1024xf32, #tpu.memory_space<hbm>>, %arg6: memref<1024xf32, #tpu.memory_space<hbm>>, %arg7: memref<1024xi32, #tpu.memory_space<hbm>>, %arg8: memref<2048xi32, #tpu.memory_space<vmem>>, %arg9: memref<32xi32, #tpu.memory_space<vmem>>, %arg10: memref<2048xi32, #tpu.memory_space<vmem>>, %arg11: memref<16xi32, #tpu.memory_space<vmem>>, %arg12: memref<16xi32, #tpu.memory_space<vmem>>, %arg13: memref<16xi32, #tpu.memory_space<vmem>>, %arg14: memref<32xf32, #tpu.memory_space<vmem>>, %arg15: memref<32xi32, #tpu.memory_space<vmem>>, %arg16: memref<16x1024xf32, #tpu.memory_space<vmem>>, %arg17: memref<16x1024xf32, #tpu.memory_space<vmem>>, %arg18: memref<!tpu.dma_semaphore, #tpu.memory_space<semaphore_mem>>, %arg19: memref<!tpu.dma_semaphore, #tpu.memory_space<semaphore_mem>>, %arg20: memref<!tpu.dma_semaphore, #tpu.memory_space<semaphore_mem>>) attributes {dimension_semantics = [#tpu.dimension_semantics<core_parallel>, #tpu.dimension_semantics<subcore_parallel>], iteration_bounds = array<i64: 2, 16>, scalar_prefetch = 0 : i64, scratch_operands = 13 : i64, tpu.core_type = #tpu.core_type<sc_vector_subcore>, window_params = [{transform_indices = #map}, {transform_indices = #map1}, {transform_indices = #map1}, {transform_indices = #map}, {transform_indices = #map1}, {transform_indices = #map1}]} {
    %mul3A = arith.constant 2 : i32
    %mul3A_0 = arith.muli %arg1, %mul3A : i32
    %add3A = arith.addi %mul3A_0, %arg0 : i32
    %mul3A_1 = arith.constant 32 : i32
    %mul3A_2 = arith.muli %add3A, %mul3A_1 : i32
    %add3A_3 = arith.constant 1024 : i32
    %add3A_4 = arith.addi %add3A_3, %mul3A_2 : i32
    %shift_right_arithmetic3A = arith.constant 7 : i32
    %shift_right_arithmetic3A_5 = arith.shrsi %add3A_4, %shift_right_arithmetic3A : i32
    "tpu.region"() ({
      %run_scoped3A = tpu.sem_alloc : memref<!tpu.dma_semaphore, #tpu.memory_space<semaphore_mem>>
      tpu.enqueue_dma source(%arg3 : memref<2048xi32, #tpu.memory_space<hbm>>) target(%arg8 : memref<2048xi32, #tpu.memory_space<vmem>>) target_semaphore(%run_scoped3A : memref<!tpu.dma_semaphore, #tpu.memory_space<semaphore_mem>>)
      tpu.wait_dma2 semaphore(%run_scoped3A : memref<!tpu.dma_semaphore, #tpu.memory_space<semaphore_mem>>) src(%arg3 : memref<2048xi32, #tpu.memory_space<hbm>>) dst(%arg8 : memref<2048xi32, #tpu.memory_space<vmem>>)
      tpu.yield
    }) : () -> ()
    "tpu.region"() ({
      %run_scoped3A = tpu.sem_alloc : memref<!tpu.dma_semaphore, #tpu.memory_space<semaphore_mem>>
      tpu.enqueue_dma source(%arg4 : memref<16xi32, #tpu.memory_space<hbm>>) target(%arg11 : memref<16xi32, #tpu.memory_space<vmem>>) target_semaphore(%run_scoped3A : memref<!tpu.dma_semaphore, #tpu.memory_space<semaphore_mem>>)
      tpu.wait_dma2 semaphore(%run_scoped3A : memref<!tpu.dma_semaphore, #tpu.memory_space<semaphore_mem>>) src(%arg4 : memref<16xi32, #tpu.memory_space<hbm>>) dst(%arg11 : memref<16xi32, #tpu.memory_space<vmem>>)
      tpu.yield
    }) : () -> ()
    %scan3A = arith.constant 0 : i32
    %scan3A_6 = arith.constant 0 : i32
    %scan3A_7 = arith.constant 2 : i32
    %scan3A_8 = arith.addi %scan3A_6, %scan3A_7 : i32
    %scan3A_9 = arith.constant 1 : i32
    %scan3A_10 = scf.for %scan3A_111 = %scan3A_6 to %scan3A_8 step %scan3A_9 iter_args(%scan3A_112 = %scan3A) -> (i32)  : i32 {
      %broadcast_in_dim3A = arith.constant 0 : i32
      %broadcast_in_dim3A_113 = vector.broadcast %broadcast_in_dim3A : i32 to vector<16xi32>
      %mul3A_114 = arith.constant 16 : i32
      %mul3A_115 = arith.muli %scan3A_111, %mul3A_114 : i32
      %swap3A_116 = arith.index_cast %mul3A_115 : i32 to index
      %swap3A_117 = tpu.vector_load %arg9[%swap3A_116] {strides = array<i32>} : memref<32xi32, #tpu.memory_space<vmem>>, vector<16xi32>,
      tpu.vector_store %arg9[%swap3A_116], %broadcast_in_dim3A_113 {strides = array<i32>} : memref<32xi32, #tpu.memory_space<vmem>>, vector<16xi32>,
      %scan3A_118 = arith.constant 0 : i32
      scf.yield %scan3A_118 : i32
    }
    %scan3A_11 = arith.constant 2 : i32
    %scan3A_12 = arith.constant 0 : i32
    %scan3A_13 = arith.constant 0 : i32
    %scan3A_14 = arith.constant 128 : i32
    %scan3A_15 = arith.addi %scan3A_13, %scan3A_14 : i32
    %scan3A_16 = arith.constant 1 : i32
    %scan3A_17 = scf.for %scan3A_111 = %scan3A_13 to %scan3A_15 step %scan3A_16 iter_args(%scan3A_112 = %scan3A_12) -> (i32)  : i32 {
      %mul3A_113 = arith.constant 16 : i32
      %mul3A_114 = arith.muli %scan3A_111, %mul3A_113 : i32
      %get3A_115 = arith.index_cast %mul3A_114 : i32 to index
      %get3A_116 = tpu.vector_load %arg8[%get3A_115] {strides = array<i32>} : memref<2048xi32, #tpu.memory_space<vmem>>, vector<16xi32>,
      %and3A_117 = arith.constant 4095 : i32
      %and3A_118 = vector.broadcast %and3A_117 : i32 to vector<16xi32>
      %and3A_119 = arith.andi %get3A_116, %and3A_118 : vector<16xi32>
      %sub3A_120 = vector.broadcast %add3A_4 : i32 to vector<16xi32>
      %sub3A_121 = arith.subi %and3A_119, %sub3A_120 : vector<16xi32>
      %iota3A_122 = tpu.iota {dimensions = array<i32: 0>} : vector<16xi32>
      %mul3A_123 = arith.constant 16 : i32
      %mul3A_124 = arith.muli %scan3A_111, %mul3A_123 : i32
      %add3A_125 = vector.broadcast %mul3A_124 : i32 to vector<16xi32>
      %add3A_126 = arith.addi %iota3A_122, %add3A_125 : vector<16xi32>
      %ge3A = arith.constant 0 : i32
      %ge3A_127 = vector.broadcast %ge3A : i32 to vector<16xi32>
      %ge3A_128 = arith.cmpi sge, %sub3A_121, %ge3A_127 : vector<16xi32>
      %lt3A_129 = arith.constant 32 : i32
      %lt3A_130 = vector.broadcast %lt3A_129 : i32 to vector<16xi32>
      %lt3A_131 = arith.cmpi slt, %sub3A_121, %lt3A_130 : vector<16xi32>
      %and3A_132 = arith.andi %ge3A_128, %lt3A_131 : vector<16xi1>
      %and3A_133 = arith.constant 31 : i32
      %and3A_134 = vector.broadcast %and3A_133 : i32 to vector<16xi32>
      %and3A_135 = arith.andi %sub3A_121, %and3A_134 : vector<16xi32>
      %and3A_136 = arith.constant -4096 : i32
      %and3A_137 = vector.broadcast %and3A_136 : i32 to vector<16xi32>
      %and3A_138 = arith.andi %get3A_116, %and3A_137 : vector<16xi32>
      %or3A = arith.ori %and3A_138, %add3A_126 : vector<16xi32>
      tpu.vector_store_idx %arg9[%and3A_135], %or3A masked %and3A_132 : memref<32xi32, #tpu.memory_space<vmem>>[vector<16xi32>], vector<16xi32>, vector<16xi1>
      %shift_right_arithmetic3A_139 = arith.constant 12 : i32
      %shift_right_arithmetic3A_140 = vector.broadcast %shift_right_arithmetic3A_139 : i32 to vector<16xi32>
      %shift_right_arithmetic3A_141 = arith.shrsi %get3A_116, %shift_right_arithmetic3A_140 : vector<16xi32>
      %and3A_142 = arith.constant 2047 : i32
      %and3A_143 = vector.broadcast %and3A_142 : i32 to vector<16xi32>
      %and3A_144 = arith.andi %shift_right_arithmetic3A_141, %and3A_143 : vector<16xi32>
      %eq3A = arith.constant 4095 : i32
      %eq3A_145 = vector.broadcast %eq3A : i32 to vector<16xi32>
      %eq3A_146 = arith.cmpi eq, %and3A_119, %eq3A_145 : vector<16xi32>
      tpu.vector_store_idx %arg10[%and3A_144], %add3A_126 masked %eq3A_146 : memref<2048xi32, #tpu.memory_space<vmem>>[vector<16xi32>], vector<16xi32>, vector<16xi1>
      %scan3A_147 = arith.constant 0 : i32
      scf.yield %scan3A_147 : i32
    }
    %scan3A_18 = arith.constant 128 : i32
    %iota3A = tpu.iota {dimensions = array<i32: 0>} : vector<16xi32>
    %mul3A_19 = arith.constant 0 : i32
    %mul3A_20 = vector.broadcast %mul3A_19 : i32 to vector<16xi32>
    %mul3A_21 = arith.muli %iota3A, %mul3A_20 : vector<16xi32>
    %add3A_22 = vector.broadcast %shift_right_arithmetic3A_5 : i32 to vector<16xi32>
    %add3A_23 = arith.addi %mul3A_21, %add3A_22 : vector<16xi32>
    %gather3A = tpu.vector_load_idx %arg11[%add3A_23] : memref<16xi32, #tpu.memory_space<vmem>>[vector<16xi32>], vector<16xi32>,
    %and3A = arith.constant 255 : i32
    %and3A_24 = vector.broadcast %and3A : i32 to vector<16xi32>
    %and3A_25 = arith.andi %gather3A, %and3A_24 : vector<16xi32>
    %shift_right_arithmetic3A_26 = arith.constant 8 : i32
    %shift_right_arithmetic3A_27 = vector.broadcast %shift_right_arithmetic3A_26 : i32 to vector<16xi32>
    %shift_right_arithmetic3A_28 = arith.shrsi %gather3A, %shift_right_arithmetic3A_27 : vector<16xi32>
    %get3A = arith.constant 0 : index
    %get3A_29 = tpu.vector_load %arg9[%get3A] {strides = array<i32>} : memref<32xi32, #tpu.memory_space<vmem>>, vector<16xi32>,
    %and3A_30 = arith.constant 4095 : i32
    %and3A_31 = vector.broadcast %and3A_30 : i32 to vector<16xi32>
    %and3A_32 = arith.andi %get3A_29, %and3A_31 : vector<16xi32>
    %swap3A = arith.constant 0 : index
    %swap3A_33 = tpu.vector_load %arg12[%swap3A] {strides = array<i32>} : memref<16xi32, #tpu.memory_space<vmem>>, vector<16xi32>,
    tpu.vector_store %arg12[%swap3A], %and3A_32 {strides = array<i32>} : memref<16xi32, #tpu.memory_space<vmem>>, vector<16xi32>,
    %and3A_34 = arith.constant -4096 : i32
    %and3A_35 = vector.broadcast %and3A_34 : i32 to vector<16xi32>
    %and3A_36 = arith.andi %get3A_29, %and3A_35 : vector<16xi32>
    %bitcast_convert_type3A = tpu.bitcast %and3A_36 : vector<16xi32> -> vector<16xf32>
    %swap3A_37 = arith.constant 0 : index
    %swap3A_38 = tpu.vector_load %arg14[%swap3A_37] {strides = array<i32>} : memref<32xf32, #tpu.memory_space<vmem>>, vector<16xf32>,
    tpu.vector_store %arg14[%swap3A_37], %bitcast_convert_type3A {strides = array<i32>} : memref<32xf32, #tpu.memory_space<vmem>>, vector<16xf32>,
    %iota3A_39 = tpu.iota {dimensions = array<i32: 0>} : vector<16xi32>
    %add3A_40 = arith.constant 0 : i32
    %add3A_41 = arith.addi %add3A_4, %add3A_40 : i32
    %add3A_42 = vector.broadcast %add3A_41 : i32 to vector<16xi32>
    %add3A_43 = arith.addi %iota3A_39, %add3A_42 : vector<16xi32>
    %and3A_44 = arith.constant 127 : i32
    %and3A_45 = vector.broadcast %and3A_44 : i32 to vector<16xi32>
    %and3A_46 = arith.andi %add3A_43, %and3A_45 : vector<16xi32>
    %lt3A = arith.cmpi slt, %and3A_46, %and3A_25 : vector<16xi32>
    %sub3A = arith.subi %add3A_43, %shift_right_arithmetic3A_28 : vector<16xi32>
    %and3A_47 = arith.constant 2047 : i32
    %and3A_48 = vector.broadcast %and3A_47 : i32 to vector<16xi32>
    %and3A_49 = arith.andi %sub3A, %and3A_48 : vector<16xi32>
    %gather3A_50 = tpu.vector_load_idx %arg10[%and3A_49] : memref<2048xi32, #tpu.memory_space<vmem>>[vector<16xi32>], vector<16xi32>,
    %select_n3A = arith.select %lt3A, %and3A_32, %gather3A_50 : vector<16xi1>, vector<16xi32>
    %swap3A_51 = arith.constant 0 : index
    %swap3A_52 = tpu.vector_load %arg15[%swap3A_51] {strides = array<i32>} : memref<32xi32, #tpu.memory_space<vmem>>, vector<16xi32>,
    tpu.vector_store %arg15[%swap3A_51], %select_n3A {strides = array<i32>} : memref<32xi32, #tpu.memory_space<vmem>>, vector<16xi32>,
    %get3A_53 = arith.constant 16 : index
    %get3A_54 = tpu.vector_load %arg9[%get3A_53] {strides = array<i32>} : memref<32xi32, #tpu.memory_space<vmem>>, vector<16xi32>,
    %and3A_55 = arith.constant 4095 : i32
    %and3A_56 = vector.broadcast %and3A_55 : i32 to vector<16xi32>
    %and3A_57 = arith.andi %get3A_54, %and3A_56 : vector<16xi32>
    %swap3A_58 = arith.constant 0 : index
    %swap3A_59 = tpu.vector_load %arg13[%swap3A_58] {strides = array<i32>} : memref<16xi32, #tpu.memory_space<vmem>>, vector<16xi32>,
    tpu.vector_store %arg13[%swap3A_58], %and3A_57 {strides = array<i32>} : memref<16xi32, #tpu.memory_space<vmem>>, vector<16xi32>,
    %and3A_60 = arith.constant -4096 : i32
    %and3A_61 = vector.broadcast %and3A_60 : i32 to vector<16xi32>
    %and3A_62 = arith.andi %get3A_54, %and3A_61 : vector<16xi32>
    %bitcast_convert_type3A_63 = tpu.bitcast %and3A_62 : vector<16xi32> -> vector<16xf32>
    %swap3A_64 = arith.constant 16 : index
    %swap3A_65 = tpu.vector_load %arg14[%swap3A_64] {strides = array<i32>} : memref<32xf32, #tpu.memory_space<vmem>>, vector<16xf32>,
    tpu.vector_store %arg14[%swap3A_64], %bitcast_convert_type3A_63 {strides = array<i32>} : memref<32xf32, #tpu.memory_space<vmem>>, vector<16xf32>,
    %iota3A_66 = tpu.iota {dimensions = array<i32: 0>} : vector<16xi32>
    %add3A_67 = arith.constant 16 : i32
    %add3A_68 = arith.addi %add3A_4, %add3A_67 : i32
    %add3A_69 = vector.broadcast %add3A_68 : i32 to vector<16xi32>
    %add3A_70 = arith.addi %iota3A_66, %add3A_69 : vector<16xi32>
    %and3A_71 = arith.constant 127 : i32
    %and3A_72 = vector.broadcast %and3A_71 : i32 to vector<16xi32>
    %and3A_73 = arith.andi %add3A_70, %and3A_72 : vector<16xi32>
    %lt3A_74 = arith.cmpi slt, %and3A_73, %and3A_25 : vector<16xi32>
    %sub3A_75 = arith.subi %add3A_70, %shift_right_arithmetic3A_28 : vector<16xi32>
    %and3A_76 = arith.constant 2047 : i32
    %and3A_77 = vector.broadcast %and3A_76 : i32 to vector<16xi32>
    %and3A_78 = arith.andi %sub3A_75, %and3A_77 : vector<16xi32>
    %gather3A_79 = tpu.vector_load_idx %arg10[%and3A_78] : memref<2048xi32, #tpu.memory_space<vmem>>[vector<16xi32>], vector<16xi32>,
    %select_n3A_80 = arith.select %lt3A_74, %and3A_57, %gather3A_79 : vector<16xi1>, vector<16xi32>
    %swap3A_81 = arith.constant 16 : index
    %swap3A_82 = tpu.vector_load %arg15[%swap3A_81] {strides = array<i32>} : memref<32xi32, #tpu.memory_space<vmem>>, vector<16xi32>,
    tpu.vector_store %arg15[%swap3A_81], %select_n3A_80 {strides = array<i32>} : memref<32xi32, #tpu.memory_space<vmem>>, vector<16xi32>,
    "tpu.region"() ({
      %run_scoped3A = tpu.sem_alloc : memref<!tpu.dma_semaphore, #tpu.memory_space<semaphore_mem>>
      %dma_start3A_111 = tpu.memref_slice %arg6[%mul3A_2] : memref<1024xf32, #tpu.memory_space<hbm>> -> memref<32xf32, #tpu.memory_space<hbm>>
      %dma_start3A_112 = tpu.memref_slice %arg6[%mul3A_2] : memref<1024xf32, #tpu.memory_space<hbm>> -> memref<32xf32, #tpu.memory_space<hbm>>
      tpu.enqueue_dma source(%arg14 : memref<32xf32, #tpu.memory_space<vmem>>) target(%dma_start3A_112 : memref<32xf32, #tpu.memory_space<hbm>>) target_semaphore(%run_scoped3A : memref<!tpu.dma_semaphore, #tpu.memory_space<semaphore_mem>>)
      %dma_wait3A_113 = tpu.memref_slice %arg6[%mul3A_2] : memref<1024xf32, #tpu.memory_space<hbm>> -> memref<32xf32, #tpu.memory_space<hbm>>
      %dma_wait3A_114 = tpu.memref_slice %arg6[%mul3A_2] : memref<1024xf32, #tpu.memory_space<hbm>> -> memref<32xf32, #tpu.memory_space<hbm>>
      tpu.wait_dma2 semaphore(%run_scoped3A : memref<!tpu.dma_semaphore, #tpu.memory_space<semaphore_mem>>) src(%arg14 : memref<32xf32, #tpu.memory_space<vmem>>) dst(%dma_wait3A_114 : memref<32xf32, #tpu.memory_space<hbm>>)
      tpu.yield
    }) : () -> ()
    "tpu.region"() ({
      %run_scoped3A = tpu.sem_alloc : memref<!tpu.dma_semaphore, #tpu.memory_space<semaphore_mem>>
      %dma_start3A_111 = tpu.memref_slice %arg7[%mul3A_2] : memref<1024xi32, #tpu.memory_space<hbm>> -> memref<32xi32, #tpu.memory_space<hbm>>
      %dma_start3A_112 = tpu.memref_slice %arg7[%mul3A_2] : memref<1024xi32, #tpu.memory_space<hbm>> -> memref<32xi32, #tpu.memory_space<hbm>>
      tpu.enqueue_dma source(%arg15 : memref<32xi32, #tpu.memory_space<vmem>>) target(%dma_start3A_112 : memref<32xi32, #tpu.memory_space<hbm>>) target_semaphore(%run_scoped3A : memref<!tpu.dma_semaphore, #tpu.memory_space<semaphore_mem>>)
      %dma_wait3A_113 = tpu.memref_slice %arg7[%mul3A_2] : memref<1024xi32, #tpu.memory_space<hbm>> -> memref<32xi32, #tpu.memory_space<hbm>>
      %dma_wait3A_114 = tpu.memref_slice %arg7[%mul3A_2] : memref<1024xi32, #tpu.memory_space<hbm>> -> memref<32xi32, #tpu.memory_space<hbm>>
      tpu.wait_dma2 semaphore(%run_scoped3A : memref<!tpu.dma_semaphore, #tpu.memory_space<semaphore_mem>>) src(%arg15 : memref<32xi32, #tpu.memory_space<vmem>>) dst(%dma_wait3A_114 : memref<32xi32, #tpu.memory_space<hbm>>)
      tpu.yield
    }) : () -> ()
    %dma_start3A = arith.constant 0 : i32
    %dma_start3A_83 = arith.constant 0 : i32
    %dma_start3A_84 = tpu.memref_slice %arg2[%dma_start3A, %dma_start3A_83] : memref<2048x1024xf32, #tpu.memory_space<hbm>> -> memref<2048x1024xf32, #tpu.memory_space<hbm>>
    tpu.enqueue_indirect_dma source(%dma_start3A_84 : memref<2048x1024xf32, #tpu.memory_space<hbm>>) target(%arg16 : memref<16x1024xf32, #tpu.memory_space<vmem>>) offsets(%arg12 : memref<16xi32, #tpu.memory_space<vmem>>) semaphore(%arg18 : memref<!tpu.dma_semaphore, #tpu.memory_space<semaphore_mem>>)
    %dma_wait3A = arith.constant 0 : i32
    %dma_wait3A_85 = arith.constant 0 : i32
    %dma_wait3A_86 = tpu.memref_slice %arg2[%dma_wait3A, %dma_wait3A_85] : memref<2048x1024xf32, #tpu.memory_space<hbm>> -> memref<2048x1024xf32, #tpu.memory_space<hbm>>
    tpu.wait_indirect_dma semaphore(%arg18 : memref<!tpu.dma_semaphore, #tpu.memory_space<semaphore_mem>>) src(%dma_wait3A_86 : memref<2048x1024xf32, #tpu.memory_space<hbm>>) dst(%arg16 : memref<16x1024xf32, #tpu.memory_space<vmem>>)
    %dma_start3A_87 = arith.constant 0 : i32
    %dma_start3A_88 = tpu.memref_slice %arg5[%mul3A_2, %dma_start3A_87] : memref<1024x1024xf32, #tpu.memory_space<hbm>> -> memref<16x1024xf32, #tpu.memory_space<hbm>>
    %dma_start3A_89 = arith.constant 0 : i32
    %dma_start3A_90 = tpu.memref_slice %arg5[%mul3A_2, %dma_start3A_89] : memref<1024x1024xf32, #tpu.memory_space<hbm>> -> memref<16x1024xf32, #tpu.memory_space<hbm>>
    tpu.enqueue_dma source(%arg16 : memref<16x1024xf32, #tpu.memory_space<vmem>>) target(%dma_start3A_90 : memref<16x1024xf32, #tpu.memory_space<hbm>>) target_semaphore(%arg19 : memref<!tpu.dma_semaphore, #tpu.memory_space<semaphore_mem>>)
    %dma_start3A_91 = arith.constant 0 : i32
    %dma_start3A_92 = arith.constant 0 : i32
    %dma_start3A_93 = tpu.memref_slice %arg2[%dma_start3A_91, %dma_start3A_92] : memref<2048x1024xf32, #tpu.memory_space<hbm>> -> memref<2048x1024xf32, #tpu.memory_space<hbm>>
    tpu.enqueue_indirect_dma source(%dma_start3A_93 : memref<2048x1024xf32, #tpu.memory_space<hbm>>) target(%arg17 : memref<16x1024xf32, #tpu.memory_space<vmem>>) offsets(%arg13 : memref<16xi32, #tpu.memory_space<vmem>>) semaphore(%arg18 : memref<!tpu.dma_semaphore, #tpu.memory_space<semaphore_mem>>)
    %dma_wait3A_94 = arith.constant 0 : i32
    %dma_wait3A_95 = arith.constant 0 : i32
    %dma_wait3A_96 = tpu.memref_slice %arg2[%dma_wait3A_94, %dma_wait3A_95] : memref<2048x1024xf32, #tpu.memory_space<hbm>> -> memref<2048x1024xf32, #tpu.memory_space<hbm>>
    tpu.wait_indirect_dma semaphore(%arg18 : memref<!tpu.dma_semaphore, #tpu.memory_space<semaphore_mem>>) src(%dma_wait3A_96 : memref<2048x1024xf32, #tpu.memory_space<hbm>>) dst(%arg17 : memref<16x1024xf32, #tpu.memory_space<vmem>>)
    %add3A_97 = arith.constant 16 : i32
    %add3A_98 = arith.addi %mul3A_2, %add3A_97 : i32
    %dma_start3A_99 = arith.constant 0 : i32
    %dma_start3A_100 = tpu.memref_slice %arg5[%add3A_98, %dma_start3A_99] : memref<1024x1024xf32, #tpu.memory_space<hbm>> -> memref<16x1024xf32, #tpu.memory_space<hbm>>
    %dma_start3A_101 = arith.constant 0 : i32
    %dma_start3A_102 = tpu.memref_slice %arg5[%add3A_98, %dma_start3A_101] : memref<1024x1024xf32, #tpu.memory_space<hbm>> -> memref<16x1024xf32, #tpu.memory_space<hbm>>
    tpu.enqueue_dma source(%arg17 : memref<16x1024xf32, #tpu.memory_space<vmem>>) target(%dma_start3A_102 : memref<16x1024xf32, #tpu.memory_space<hbm>>) target_semaphore(%arg20 : memref<!tpu.dma_semaphore, #tpu.memory_space<semaphore_mem>>)
    %dma_wait3A_103 = arith.constant 0 : i32
    %dma_wait3A_104 = tpu.memref_slice %arg5[%mul3A_2, %dma_wait3A_103] : memref<1024x1024xf32, #tpu.memory_space<hbm>> -> memref<16x1024xf32, #tpu.memory_space<hbm>>
    %dma_wait3A_105 = arith.constant 0 : i32
    %dma_wait3A_106 = tpu.memref_slice %arg5[%mul3A_2, %dma_wait3A_105] : memref<1024x1024xf32, #tpu.memory_space<hbm>> -> memref<16x1024xf32, #tpu.memory_space<hbm>>
    tpu.wait_dma2 semaphore(%arg19 : memref<!tpu.dma_semaphore, #tpu.memory_space<semaphore_mem>>) src(%arg16 : memref<16x1024xf32, #tpu.memory_space<vmem>>) dst(%dma_wait3A_106 : memref<16x1024xf32, #tpu.memory_space<hbm>>)
    %dma_wait3A_107 = arith.constant 0 : i32
    %dma_wait3A_108 = tpu.memref_slice %arg5[%add3A_98, %dma_wait3A_107] : memref<1024x1024xf32, #tpu.memory_space<hbm>> -> memref<16x1024xf32, #tpu.memory_space<hbm>>
    %dma_wait3A_109 = arith.constant 0 : i32
    %dma_wait3A_110 = tpu.memref_slice %arg5[%add3A_98, %dma_wait3A_109] : memref<1024x1024xf32, #tpu.memory_space<hbm>> -> memref<16x1024xf32, #tpu.memory_space<hbm>>
    tpu.wait_dma2 semaphore(%arg20 : memref<!tpu.dma_semaphore, #tpu.memory_space<semaphore_mem>>) src(%arg17 : memref<16x1024xf32, #tpu.memory_space<vmem>>) dst(%dma_wait3A_110 : memref<16x1024xf32, #tpu.memory_space<hbm>>)
    return
  }
}

#map = affine_map<(d0, d1) -> (0, 0)>
#map1 = affine_map<(d0, d1) -> (0)>
module attributes {stable_mosaic.version = 14 : i64} {
  func.func @dispatch0(%arg0: i32, %arg1: i32, %arg2: memref<2048x1024xf32, #tpu.memory_space<hbm>>, %arg3: memref<2048xi32, #tpu.memory_space<hbm>>, %arg4: memref<16xi32, #tpu.memory_space<hbm>>, %arg5: memref<1024x1024xf32, #tpu.memory_space<hbm>>, %arg6: memref<1024xf32, #tpu.memory_space<hbm>>, %arg7: memref<1024xi32, #tpu.memory_space<hbm>>, %arg8: memref<2048xi32, #tpu.memory_space<vmem>>, %arg9: memref<32xi32, #tpu.memory_space<vmem>>, %arg10: memref<2048xi32, #tpu.memory_space<vmem>>, %arg11: memref<16xi32, #tpu.memory_space<vmem>>, %arg12: memref<16xi32, #tpu.memory_space<vmem>>, %arg13: memref<16xi32, #tpu.memory_space<vmem>>, %arg14: memref<32xf32, #tpu.memory_space<vmem>>, %arg15: memref<32xi32, #tpu.memory_space<vmem>>, %arg16: memref<16x1024xf32, #tpu.memory_space<vmem>>, %arg17: memref<16x1024xf32, #tpu.memory_space<vmem>>, %arg18: memref<!tpu.dma_semaphore, #tpu.memory_space<semaphore_mem>>, %arg19: memref<!tpu.dma_semaphore, #tpu.memory_space<semaphore_mem>>, %arg20: memref<!tpu.dma_semaphore, #tpu.memory_space<semaphore_mem>>) attributes {dimension_semantics = [#tpu.dimension_semantics<core_parallel>, #tpu.dimension_semantics<subcore_parallel>], iteration_bounds = array<i64: 2, 16>, scalar_prefetch = 0 : i64, scratch_operands = 13 : i64, tpu.core_type = #tpu.core_type<sc_vector_subcore>, window_params = [{transform_indices = #map}, {transform_indices = #map1}, {transform_indices = #map1}, {transform_indices = #map}, {transform_indices = #map1}, {transform_indices = #map1}]} {
    %mul3A = arith.constant 2 : i32
    %mul3A_0 = arith.muli %arg1, %mul3A : i32
    %add3A = arith.addi %mul3A_0, %arg0 : i32
    %mul3A_1 = arith.constant 32 : i32
    %mul3A_2 = arith.muli %add3A, %mul3A_1 : i32
    %add3A_3 = arith.constant 0 : i32
    %add3A_4 = arith.addi %add3A_3, %mul3A_2 : i32
    %shift_right_arithmetic3A = arith.constant 7 : i32
    %shift_right_arithmetic3A_5 = arith.shrsi %add3A_4, %shift_right_arithmetic3A : i32
    "tpu.region"() ({
      %run_scoped3A = tpu.sem_alloc : memref<!tpu.dma_semaphore, #tpu.memory_space<semaphore_mem>>
      tpu.enqueue_dma source(%arg3 : memref<2048xi32, #tpu.memory_space<hbm>>) target(%arg8 : memref<2048xi32, #tpu.memory_space<vmem>>) target_semaphore(%run_scoped3A : memref<!tpu.dma_semaphore, #tpu.memory_space<semaphore_mem>>)
      tpu.wait_dma2 semaphore(%run_scoped3A : memref<!tpu.dma_semaphore, #tpu.memory_space<semaphore_mem>>) src(%arg3 : memref<2048xi32, #tpu.memory_space<hbm>>) dst(%arg8 : memref<2048xi32, #tpu.memory_space<vmem>>)
      tpu.yield
    }) : () -> ()
    "tpu.region"() ({
      %run_scoped3A = tpu.sem_alloc : memref<!tpu.dma_semaphore, #tpu.memory_space<semaphore_mem>>
      tpu.enqueue_dma source(%arg4 : memref<16xi32, #tpu.memory_space<hbm>>) target(%arg11 : memref<16xi32, #tpu.memory_space<vmem>>) target_semaphore(%run_scoped3A : memref<!tpu.dma_semaphore, #tpu.memory_space<semaphore_mem>>)
      tpu.wait_dma2 semaphore(%run_scoped3A : memref<!tpu.dma_semaphore, #tpu.memory_space<semaphore_mem>>) src(%arg4 : memref<16xi32, #tpu.memory_space<hbm>>) dst(%arg11 : memref<16xi32, #tpu.memory_space<vmem>>)
      tpu.yield
    }) : () -> ()
    %scan3A = arith.constant 0 : i32
    %scan3A_6 = arith.constant 0 : i32
    %scan3A_7 = arith.constant 2 : i32
    %scan3A_8 = arith.addi %scan3A_6, %scan3A_7 : i32
    %scan3A_9 = arith.constant 1 : i32
    %scan3A_10 = scf.for %scan3A_111 = %scan3A_6 to %scan3A_8 step %scan3A_9 iter_args(%scan3A_112 = %scan3A) -> (i32)  : i32 {
      %broadcast_in_dim3A = arith.constant 0 : i32
      %broadcast_in_dim3A_113 = vector.broadcast %broadcast_in_dim3A : i32 to vector<16xi32>
      %mul3A_114 = arith.constant 16 : i32
      %mul3A_115 = arith.muli %scan3A_111, %mul3A_114 : i32
      %swap3A_116 = arith.index_cast %mul3A_115 : i32 to index
      %swap3A_117 = tpu.vector_load %arg9[%swap3A_116] {strides = array<i32>} : memref<32xi32, #tpu.memory_space<vmem>>, vector<16xi32>,
      tpu.vector_store %arg9[%swap3A_116], %broadcast_in_dim3A_113 {strides = array<i32>} : memref<32xi32, #tpu.memory_space<vmem>>, vector<16xi32>,
      %scan3A_118 = arith.constant 0 : i32
      scf.yield %scan3A_118 : i32
    }
    %scan3A_11 = arith.constant 2 : i32
    %scan3A_12 = arith.constant 0 : i32
    %scan3A_13 = arith.constant 0 : i32
    %scan3A_14 = arith.constant 128 : i32
    %scan3A_15 = arith.addi %scan3A_13, %scan3A_14 : i32
    %scan3A_16 = arith.constant 1 : i32
    %scan3A_17 = scf.for %scan3A_111 = %scan3A_13 to %scan3A_15 step %scan3A_16 iter_args(%scan3A_112 = %scan3A_12) -> (i32)  : i32 {
      %mul3A_113 = arith.constant 16 : i32
      %mul3A_114 = arith.muli %scan3A_111, %mul3A_113 : i32
      %get3A_115 = arith.index_cast %mul3A_114 : i32 to index
      %get3A_116 = tpu.vector_load %arg8[%get3A_115] {strides = array<i32>} : memref<2048xi32, #tpu.memory_space<vmem>>, vector<16xi32>,
      %and3A_117 = arith.constant 4095 : i32
      %and3A_118 = vector.broadcast %and3A_117 : i32 to vector<16xi32>
      %and3A_119 = arith.andi %get3A_116, %and3A_118 : vector<16xi32>
      %sub3A_120 = vector.broadcast %add3A_4 : i32 to vector<16xi32>
      %sub3A_121 = arith.subi %and3A_119, %sub3A_120 : vector<16xi32>
      %iota3A_122 = tpu.iota {dimensions = array<i32: 0>} : vector<16xi32>
      %mul3A_123 = arith.constant 16 : i32
      %mul3A_124 = arith.muli %scan3A_111, %mul3A_123 : i32
      %add3A_125 = vector.broadcast %mul3A_124 : i32 to vector<16xi32>
      %add3A_126 = arith.addi %iota3A_122, %add3A_125 : vector<16xi32>
      %ge3A = arith.constant 0 : i32
      %ge3A_127 = vector.broadcast %ge3A : i32 to vector<16xi32>
      %ge3A_128 = arith.cmpi sge, %sub3A_121, %ge3A_127 : vector<16xi32>
      %lt3A_129 = arith.constant 32 : i32
      %lt3A_130 = vector.broadcast %lt3A_129 : i32 to vector<16xi32>
      %lt3A_131 = arith.cmpi slt, %sub3A_121, %lt3A_130 : vector<16xi32>
      %and3A_132 = arith.andi %ge3A_128, %lt3A_131 : vector<16xi1>
      %and3A_133 = arith.constant 31 : i32
      %and3A_134 = vector.broadcast %and3A_133 : i32 to vector<16xi32>
      %and3A_135 = arith.andi %sub3A_121, %and3A_134 : vector<16xi32>
      %and3A_136 = arith.constant -4096 : i32
      %and3A_137 = vector.broadcast %and3A_136 : i32 to vector<16xi32>
      %and3A_138 = arith.andi %get3A_116, %and3A_137 : vector<16xi32>
      %or3A = arith.ori %and3A_138, %add3A_126 : vector<16xi32>
      tpu.vector_store_idx %arg9[%and3A_135], %or3A masked %and3A_132 : memref<32xi32, #tpu.memory_space<vmem>>[vector<16xi32>], vector<16xi32>, vector<16xi1>
      %shift_right_arithmetic3A_139 = arith.constant 12 : i32
      %shift_right_arithmetic3A_140 = vector.broadcast %shift_right_arithmetic3A_139 : i32 to vector<16xi32>
      %shift_right_arithmetic3A_141 = arith.shrsi %get3A_116, %shift_right_arithmetic3A_140 : vector<16xi32>
      %and3A_142 = arith.constant 2047 : i32
      %and3A_143 = vector.broadcast %and3A_142 : i32 to vector<16xi32>
      %and3A_144 = arith.andi %shift_right_arithmetic3A_141, %and3A_143 : vector<16xi32>
      %eq3A = arith.constant 4095 : i32
      %eq3A_145 = vector.broadcast %eq3A : i32 to vector<16xi32>
      %eq3A_146 = arith.cmpi eq, %and3A_119, %eq3A_145 : vector<16xi32>
      tpu.vector_store_idx %arg10[%and3A_144], %add3A_126 masked %eq3A_146 : memref<2048xi32, #tpu.memory_space<vmem>>[vector<16xi32>], vector<16xi32>, vector<16xi1>
      %scan3A_147 = arith.constant 0 : i32
      scf.yield %scan3A_147 : i32
    }
    %scan3A_18 = arith.constant 128 : i32
    %iota3A = tpu.iota {dimensions = array<i32: 0>} : vector<16xi32>
    %mul3A_19 = arith.constant 0 : i32
    %mul3A_20 = vector.broadcast %mul3A_19 : i32 to vector<16xi32>
    %mul3A_21 = arith.muli %iota3A, %mul3A_20 : vector<16xi32>
    %add3A_22 = vector.broadcast %shift_right_arithmetic3A_5 : i32 to vector<16xi32>
    %add3A_23 = arith.addi %mul3A_21, %add3A_22 : vector<16xi32>
    %gather3A = tpu.vector_load_idx %arg11[%add3A_23] : memref<16xi32, #tpu.memory_space<vmem>>[vector<16xi32>], vector<16xi32>,
    %and3A = arith.constant 255 : i32
    %and3A_24 = vector.broadcast %and3A : i32 to vector<16xi32>
    %and3A_25 = arith.andi %gather3A, %and3A_24 : vector<16xi32>
    %shift_right_arithmetic3A_26 = arith.constant 8 : i32
    %shift_right_arithmetic3A_27 = vector.broadcast %shift_right_arithmetic3A_26 : i32 to vector<16xi32>
    %shift_right_arithmetic3A_28 = arith.shrsi %gather3A, %shift_right_arithmetic3A_27 : vector<16xi32>
    %get3A = arith.constant 0 : index
    %get3A_29 = tpu.vector_load %arg9[%get3A] {strides = array<i32>} : memref<32xi32, #tpu.memory_space<vmem>>, vector<16xi32>,
    %and3A_30 = arith.constant 4095 : i32
    %and3A_31 = vector.broadcast %and3A_30 : i32 to vector<16xi32>
    %and3A_32 = arith.andi %get3A_29, %and3A_31 : vector<16xi32>
    %swap3A = arith.constant 0 : index
    %swap3A_33 = tpu.vector_load %arg12[%swap3A] {strides = array<i32>} : memref<16xi32, #tpu.memory_space<vmem>>, vector<16xi32>,
    tpu.vector_store %arg12[%swap3A], %and3A_32 {strides = array<i32>} : memref<16xi32, #tpu.memory_space<vmem>>, vector<16xi32>,
    %and3A_34 = arith.constant -4096 : i32
    %and3A_35 = vector.broadcast %and3A_34 : i32 to vector<16xi32>
    %and3A_36 = arith.andi %get3A_29, %and3A_35 : vector<16xi32>
    %bitcast_convert_type3A = tpu.bitcast %and3A_36 : vector<16xi32> -> vector<16xf32>
    %swap3A_37 = arith.constant 0 : index
    %swap3A_38 = tpu.vector_load %arg14[%swap3A_37] {strides = array<i32>} : memref<32xf32, #tpu.memory_space<vmem>>, vector<16xf32>,
    tpu.vector_store %arg14[%swap3A_37], %bitcast_convert_type3A {strides = array<i32>} : memref<32xf32, #tpu.memory_space<vmem>>, vector<16xf32>,
    %iota3A_39 = tpu.iota {dimensions = array<i32: 0>} : vector<16xi32>
    %add3A_40 = arith.constant 0 : i32
    %add3A_41 = arith.addi %add3A_4, %add3A_40 : i32
    %add3A_42 = vector.broadcast %add3A_41 : i32 to vector<16xi32>
    %add3A_43 = arith.addi %iota3A_39, %add3A_42 : vector<16xi32>
    %and3A_44 = arith.constant 127 : i32
    %and3A_45 = vector.broadcast %and3A_44 : i32 to vector<16xi32>
    %and3A_46 = arith.andi %add3A_43, %and3A_45 : vector<16xi32>
    %lt3A = arith.cmpi slt, %and3A_46, %and3A_25 : vector<16xi32>
    %sub3A = arith.subi %add3A_43, %shift_right_arithmetic3A_28 : vector<16xi32>
    %and3A_47 = arith.constant 2047 : i32
    %and3A_48 = vector.broadcast %and3A_47 : i32 to vector<16xi32>
    %and3A_49 = arith.andi %sub3A, %and3A_48 : vector<16xi32>
    %gather3A_50 = tpu.vector_load_idx %arg10[%and3A_49] : memref<2048xi32, #tpu.memory_space<vmem>>[vector<16xi32>], vector<16xi32>,
    %select_n3A = arith.select %lt3A, %and3A_32, %gather3A_50 : vector<16xi1>, vector<16xi32>
    %swap3A_51 = arith.constant 0 : index
    %swap3A_52 = tpu.vector_load %arg15[%swap3A_51] {strides = array<i32>} : memref<32xi32, #tpu.memory_space<vmem>>, vector<16xi32>,
    tpu.vector_store %arg15[%swap3A_51], %select_n3A {strides = array<i32>} : memref<32xi32, #tpu.memory_space<vmem>>, vector<16xi32>,
    %get3A_53 = arith.constant 16 : index
    %get3A_54 = tpu.vector_load %arg9[%get3A_53] {strides = array<i32>} : memref<32xi32, #tpu.memory_space<vmem>>, vector<16xi32>,
    %and3A_55 = arith.constant 4095 : i32
    %and3A_56 = vector.broadcast %and3A_55 : i32 to vector<16xi32>
    %and3A_57 = arith.andi %get3A_54, %and3A_56 : vector<16xi32>
    %swap3A_58 = arith.constant 0 : index
    %swap3A_59 = tpu.vector_load %arg13[%swap3A_58] {strides = array<i32>} : memref<16xi32, #tpu.memory_space<vmem>>, vector<16xi32>,
    tpu.vector_store %arg13[%swap3A_58], %and3A_57 {strides = array<i32>} : memref<16xi32, #tpu.memory_space<vmem>>, vector<16xi32>,
    %and3A_60 = arith.constant -4096 : i32
    %and3A_61 = vector.broadcast %and3A_60 : i32 to vector<16xi32>
    %and3A_62 = arith.andi %get3A_54, %and3A_61 : vector<16xi32>
    %bitcast_convert_type3A_63 = tpu.bitcast %and3A_62 : vector<16xi32> -> vector<16xf32>
    %swap3A_64 = arith.constant 16 : index
    %swap3A_65 = tpu.vector_load %arg14[%swap3A_64] {strides = array<i32>} : memref<32xf32, #tpu.memory_space<vmem>>, vector<16xf32>,
    tpu.vector_store %arg14[%swap3A_64], %bitcast_convert_type3A_63 {strides = array<i32>} : memref<32xf32, #tpu.memory_space<vmem>>, vector<16xf32>,
    %iota3A_66 = tpu.iota {dimensions = array<i32: 0>} : vector<16xi32>
    %add3A_67 = arith.constant 16 : i32
    %add3A_68 = arith.addi %add3A_4, %add3A_67 : i32
    %add3A_69 = vector.broadcast %add3A_68 : i32 to vector<16xi32>
    %add3A_70 = arith.addi %iota3A_66, %add3A_69 : vector<16xi32>
    %and3A_71 = arith.constant 127 : i32
    %and3A_72 = vector.broadcast %and3A_71 : i32 to vector<16xi32>
    %and3A_73 = arith.andi %add3A_70, %and3A_72 : vector<16xi32>
    %lt3A_74 = arith.cmpi slt, %and3A_73, %and3A_25 : vector<16xi32>
    %sub3A_75 = arith.subi %add3A_70, %shift_right_arithmetic3A_28 : vector<16xi32>
    %and3A_76 = arith.constant 2047 : i32
    %and3A_77 = vector.broadcast %and3A_76 : i32 to vector<16xi32>
    %and3A_78 = arith.andi %sub3A_75, %and3A_77 : vector<16xi32>
    %gather3A_79 = tpu.vector_load_idx %arg10[%and3A_78] : memref<2048xi32, #tpu.memory_space<vmem>>[vector<16xi32>], vector<16xi32>,
    %select_n3A_80 = arith.select %lt3A_74, %and3A_57, %gather3A_79 : vector<16xi1>, vector<16xi32>
    %swap3A_81 = arith.constant 16 : index
    %swap3A_82 = tpu.vector_load %arg15[%swap3A_81] {strides = array<i32>} : memref<32xi32, #tpu.memory_space<vmem>>, vector<16xi32>,
    tpu.vector_store %arg15[%swap3A_81], %select_n3A_80 {strides = array<i32>} : memref<32xi32, #tpu.memory_space<vmem>>, vector<16xi32>,
    "tpu.region"() ({
      %run_scoped3A = tpu.sem_alloc : memref<!tpu.dma_semaphore, #tpu.memory_space<semaphore_mem>>
      %dma_start3A_111 = tpu.memref_slice %arg6[%mul3A_2] : memref<1024xf32, #tpu.memory_space<hbm>> -> memref<32xf32, #tpu.memory_space<hbm>>
      %dma_start3A_112 = tpu.memref_slice %arg6[%mul3A_2] : memref<1024xf32, #tpu.memory_space<hbm>> -> memref<32xf32, #tpu.memory_space<hbm>>
      tpu.enqueue_dma source(%arg14 : memref<32xf32, #tpu.memory_space<vmem>>) target(%dma_start3A_112 : memref<32xf32, #tpu.memory_space<hbm>>) target_semaphore(%run_scoped3A : memref<!tpu.dma_semaphore, #tpu.memory_space<semaphore_mem>>)
      %dma_wait3A_113 = tpu.memref_slice %arg6[%mul3A_2] : memref<1024xf32, #tpu.memory_space<hbm>> -> memref<32xf32, #tpu.memory_space<hbm>>
      %dma_wait3A_114 = tpu.memref_slice %arg6[%mul3A_2] : memref<1024xf32, #tpu.memory_space<hbm>> -> memref<32xf32, #tpu.memory_space<hbm>>
      tpu.wait_dma2 semaphore(%run_scoped3A : memref<!tpu.dma_semaphore, #tpu.memory_space<semaphore_mem>>) src(%arg14 : memref<32xf32, #tpu.memory_space<vmem>>) dst(%dma_wait3A_114 : memref<32xf32, #tpu.memory_space<hbm>>)
      tpu.yield
    }) : () -> ()
    "tpu.region"() ({
      %run_scoped3A = tpu.sem_alloc : memref<!tpu.dma_semaphore, #tpu.memory_space<semaphore_mem>>
      %dma_start3A_111 = tpu.memref_slice %arg7[%mul3A_2] : memref<1024xi32, #tpu.memory_space<hbm>> -> memref<32xi32, #tpu.memory_space<hbm>>
      %dma_start3A_112 = tpu.memref_slice %arg7[%mul3A_2] : memref<1024xi32, #tpu.memory_space<hbm>> -> memref<32xi32, #tpu.memory_space<hbm>>
      tpu.enqueue_dma source(%arg15 : memref<32xi32, #tpu.memory_space<vmem>>) target(%dma_start3A_112 : memref<32xi32, #tpu.memory_space<hbm>>) target_semaphore(%run_scoped3A : memref<!tpu.dma_semaphore, #tpu.memory_space<semaphore_mem>>)
      %dma_wait3A_113 = tpu.memref_slice %arg7[%mul3A_2] : memref<1024xi32, #tpu.memory_space<hbm>> -> memref<32xi32, #tpu.memory_space<hbm>>
      %dma_wait3A_114 = tpu.memref_slice %arg7[%mul3A_2] : memref<1024xi32, #tpu.memory_space<hbm>> -> memref<32xi32, #tpu.memory_space<hbm>>
      tpu.wait_dma2 semaphore(%run_scoped3A : memref<!tpu.dma_semaphore, #tpu.memory_space<semaphore_mem>>) src(%arg15 : memref<32xi32, #tpu.memory_space<vmem>>) dst(%dma_wait3A_114 : memref<32xi32, #tpu.memory_space<hbm>>)
      tpu.yield
    }) : () -> ()
    %dma_start3A = arith.constant 0 : i32
    %dma_start3A_83 = arith.constant 0 : i32
    %dma_start3A_84 = tpu.memref_slice %arg2[%dma_start3A, %dma_start3A_83] : memref<2048x1024xf32, #tpu.memory_space<hbm>> -> memref<2048x1024xf32, #tpu.memory_space<hbm>>
    tpu.enqueue_indirect_dma source(%dma_start3A_84 : memref<2048x1024xf32, #tpu.memory_space<hbm>>) target(%arg16 : memref<16x1024xf32, #tpu.memory_space<vmem>>) offsets(%arg12 : memref<16xi32, #tpu.memory_space<vmem>>) semaphore(%arg18 : memref<!tpu.dma_semaphore, #tpu.memory_space<semaphore_mem>>)
    %dma_wait3A = arith.constant 0 : i32
    %dma_wait3A_85 = arith.constant 0 : i32
    %dma_wait3A_86 = tpu.memref_slice %arg2[%dma_wait3A, %dma_wait3A_85] : memref<2048x1024xf32, #tpu.memory_space<hbm>> -> memref<2048x1024xf32, #tpu.memory_space<hbm>>
    tpu.wait_indirect_dma semaphore(%arg18 : memref<!tpu.dma_semaphore, #tpu.memory_space<semaphore_mem>>) src(%dma_wait3A_86 : memref<2048x1024xf32, #tpu.memory_space<hbm>>) dst(%arg16 : memref<16x1024xf32, #tpu.memory_space<vmem>>)
    %dma_start3A_87 = arith.constant 0 : i32
    %dma_start3A_88 = tpu.memref_slice %arg5[%mul3A_2, %dma_start3A_87] : memref<1024x1024xf32, #tpu.memory_space<hbm>> -> memref<16x1024xf32, #tpu.memory_space<hbm>>
    %dma_start3A_89 = arith.constant 0 : i32
    %dma_start3A_90 = tpu.memref_slice %arg5[%mul3A_2, %dma_start3A_89] : memref<1024x1024xf32, #tpu.memory_space<hbm>> -> memref<16x1024xf32, #tpu.memory_space<hbm>>
    tpu.enqueue_dma source(%arg16 : memref<16x1024xf32, #tpu.memory_space<vmem>>) target(%dma_start3A_90 : memref<16x1024xf32, #tpu.memory_space<hbm>>) target_semaphore(%arg19 : memref<!tpu.dma_semaphore, #tpu.memory_space<semaphore_mem>>)
    %dma_start3A_91 = arith.constant 0 : i32
    %dma_start3A_92 = arith.constant 0 : i32
    %dma_start3A_93 = tpu.memref_slice %arg2[%dma_start3A_91, %dma_start3A_92] : memref<2048x1024xf32, #tpu.memory_space<hbm>> -> memref<2048x1024xf32, #tpu.memory_space<hbm>>
    tpu.enqueue_indirect_dma source(%dma_start3A_93 : memref<2048x1024xf32, #tpu.memory_space<hbm>>) target(%arg17 : memref<16x1024xf32, #tpu.memory_space<vmem>>) offsets(%arg13 : memref<16xi32, #tpu.memory_space<vmem>>) semaphore(%arg18 : memref<!tpu.dma_semaphore, #tpu.memory_space<semaphore_mem>>)
    %dma_wait3A_94 = arith.constant 0 : i32
    %dma_wait3A_95 = arith.constant 0 : i32
    %dma_wait3A_96 = tpu.memref_slice %arg2[%dma_wait3A_94, %dma_wait3A_95] : memref<2048x1024xf32, #tpu.memory_space<hbm>> -> memref<2048x1024xf32, #tpu.memory_space<hbm>>
    tpu.wait_indirect_dma semaphore(%arg18 : memref<!tpu.dma_semaphore, #tpu.memory_space<semaphore_mem>>) src(%dma_wait3A_96 : memref<2048x1024xf32, #tpu.memory_space<hbm>>) dst(%arg17 : memref<16x1024xf32, #tpu.memory_space<vmem>>)
    %add3A_97 = arith.constant 16 : i32
    %add3A_98 = arith.addi %mul3A_2, %add3A_97 : i32
    %dma_start3A_99 = arith.constant 0 : i32
    %dma_start3A_100 = tpu.memref_slice %arg5[%add3A_98, %dma_start3A_99] : memref<1024x1024xf32, #tpu.memory_space<hbm>> -> memref<16x1024xf32, #tpu.memory_space<hbm>>
    %dma_start3A_101 = arith.constant 0 : i32
    %dma_start3A_102 = tpu.memref_slice %arg5[%add3A_98, %dma_start3A_101] : memref<1024x1024xf32, #tpu.memory_space<hbm>> -> memref<16x1024xf32, #tpu.memory_space<hbm>>
    tpu.enqueue_dma source(%arg17 : memref<16x1024xf32, #tpu.memory_space<vmem>>) target(%dma_start3A_102 : memref<16x1024xf32, #tpu.memory_space<hbm>>) target_semaphore(%arg20 : memref<!tpu.dma_semaphore, #tpu.memory_space<semaphore_mem>>)
    %dma_wait3A_103 = arith.constant 0 : i32
    %dma_wait3A_104 = tpu.memref_slice %arg5[%mul3A_2, %dma_wait3A_103] : memref<1024x1024xf32, #tpu.memory_space<hbm>> -> memref<16x1024xf32, #tpu.memory_space<hbm>>
    %dma_wait3A_105 = arith.constant 0 : i32
    %dma_wait3A_106 = tpu.memref_slice %arg5[%mul3A_2, %dma_wait3A_105] : memref<1024x1024xf32, #tpu.memory_space<hbm>> -> memref<16x1024xf32, #tpu.memory_space<hbm>>
    tpu.wait_dma2 semaphore(%arg19 : memref<!tpu.dma_semaphore, #tpu.memory_space<semaphore_mem>>) src(%arg16 : memref<16x1024xf32, #tpu.memory_space<vmem>>) dst(%dma_wait3A_106 : memref<16x1024xf32, #tpu.memory_space<hbm>>)
    %dma_wait3A_107 = arith.constant 0 : i32
    %dma_wait3A_108 = tpu.memref_slice %arg5[%add3A_98, %dma_wait3A_107] : memref<1024x1024xf32, #tpu.memory_space<hbm>> -> memref<16x1024xf32, #tpu.memory_space<hbm>>
    %dma_wait3A_109 = arith.constant 0 : i32
    %dma_wait3A_110 = tpu.memref_slice %arg5[%add3A_98, %dma_wait3A_109] : memref<1024x1024xf32, #tpu.memory_space<hbm>> -> memref<16x1024xf32, #tpu.memory_space<hbm>>
    tpu.wait_dma2 semaphore(%arg20 : memref<!tpu.dma_semaphore, #tpu.memory_space<semaphore_mem>>) src(%arg17 : memref<16x1024xf32, #tpu.memory_space<vmem>>) dst(%dma_wait3A_110 : memref<16x1024xf32, #tpu.memory_space<hbm>>)
    return
  }
}

#map = affine_map<(d0, d1) -> (0, 0)>
#map1 = affine_map<(d0, d1) -> (0)>
module attributes {stable_mosaic.version = 14 : i64} {
  func.func @new_body(%arg0: i32, %arg1: i32, %arg2: memref<1024x1024xf32, #tpu.memory_space<hbm>>, %arg3: memref<1024xi32, #tpu.memory_space<hbm>>, %arg4: memref<2048x1024xf32, #tpu.memory_space<hbm>>, %arg5: memref<2048x1024xf32, #tpu.memory_space<hbm>>, %arg6: memref<16xi32, #tpu.memory_space<vmem>>, %arg7: memref<16xi32, #tpu.memory_space<vmem>>, %arg8: memref<16x1024xf32, #tpu.memory_space<vmem>>, %arg9: memref<16x1024xf32, #tpu.memory_space<vmem>>, %arg10: memref<!tpu.dma_semaphore, #tpu.memory_space<semaphore_mem>>, %arg11: memref<!tpu.dma_semaphore, #tpu.memory_space<semaphore_mem>>, %arg12: memref<!tpu.dma_semaphore, #tpu.memory_space<semaphore_mem>>) attributes {dimension_semantics = [#tpu.dimension_semantics<core_parallel>, #tpu.dimension_semantics<subcore_parallel>], iteration_bounds = array<i64: 2, 16>, scalar_prefetch = 0 : i64, scratch_operands = 7 : i64, tpu.core_type = #tpu.core_type<sc_vector_subcore>, window_params = [{transform_indices = #map}, {transform_indices = #map1}, {transform_indices = #map}, {transform_indices = #map}]} {
    %mul3A = arith.constant 2 : i32
    %mul3A_0 = arith.muli %arg1, %mul3A : i32
    %add3A = arith.addi %mul3A_0, %arg0 : i32
    %mul3A_1 = arith.constant 32 : i32
    %mul3A_2 = arith.muli %add3A, %mul3A_1 : i32
    "tpu.region"() ({
      %run_scoped3A = tpu.sem_alloc : memref<!tpu.dma_semaphore, #tpu.memory_space<semaphore_mem>>
      %dma_start3A_33 = tpu.memref_slice %arg3[%mul3A_2] : memref<1024xi32, #tpu.memory_space<hbm>> -> memref<16xi32, #tpu.memory_space<hbm>>
      %dma_start3A_34 = tpu.memref_slice %arg3[%mul3A_2] : memref<1024xi32, #tpu.memory_space<hbm>> -> memref<16xi32, #tpu.memory_space<hbm>>
      tpu.enqueue_dma source(%dma_start3A_34 : memref<16xi32, #tpu.memory_space<hbm>>) target(%arg6 : memref<16xi32, #tpu.memory_space<vmem>>) target_semaphore(%run_scoped3A : memref<!tpu.dma_semaphore, #tpu.memory_space<semaphore_mem>>)
      %dma_wait3A_35 = tpu.memref_slice %arg3[%mul3A_2] : memref<1024xi32, #tpu.memory_space<hbm>> -> memref<16xi32, #tpu.memory_space<hbm>>
      %dma_wait3A_36 = tpu.memref_slice %arg3[%mul3A_2] : memref<1024xi32, #tpu.memory_space<hbm>> -> memref<16xi32, #tpu.memory_space<hbm>>
      tpu.wait_dma2 semaphore(%run_scoped3A : memref<!tpu.dma_semaphore, #tpu.memory_space<semaphore_mem>>) src(%dma_wait3A_36 : memref<16xi32, #tpu.memory_space<hbm>>) dst(%arg6 : memref<16xi32, #tpu.memory_space<vmem>>)
      tpu.yield
    }) : () -> ()
    %add3A_3 = arith.constant 16 : i32
    %add3A_4 = arith.addi %mul3A_2, %add3A_3 : i32
    "tpu.region"() ({
      %run_scoped3A = tpu.sem_alloc : memref<!tpu.dma_semaphore, #tpu.memory_space<semaphore_mem>>
      %dma_start3A_33 = tpu.memref_slice %arg3[%add3A_4] : memref<1024xi32, #tpu.memory_space<hbm>> -> memref<16xi32, #tpu.memory_space<hbm>>
      %dma_start3A_34 = tpu.memref_slice %arg3[%add3A_4] : memref<1024xi32, #tpu.memory_space<hbm>> -> memref<16xi32, #tpu.memory_space<hbm>>
      tpu.enqueue_dma source(%dma_start3A_34 : memref<16xi32, #tpu.memory_space<hbm>>) target(%arg7 : memref<16xi32, #tpu.memory_space<vmem>>) target_semaphore(%run_scoped3A : memref<!tpu.dma_semaphore, #tpu.memory_space<semaphore_mem>>)
      %dma_wait3A_35 = tpu.memref_slice %arg3[%add3A_4] : memref<1024xi32, #tpu.memory_space<hbm>> -> memref<16xi32, #tpu.memory_space<hbm>>
      %dma_wait3A_36 = tpu.memref_slice %arg3[%add3A_4] : memref<1024xi32, #tpu.memory_space<hbm>> -> memref<16xi32, #tpu.memory_space<hbm>>
      tpu.wait_dma2 semaphore(%run_scoped3A : memref<!tpu.dma_semaphore, #tpu.memory_space<semaphore_mem>>) src(%dma_wait3A_36 : memref<16xi32, #tpu.memory_space<hbm>>) dst(%arg7 : memref<16xi32, #tpu.memory_space<vmem>>)
      tpu.yield
    }) : () -> ()
    %dma_start3A = arith.constant 0 : i32
    %dma_start3A_5 = tpu.memref_slice %arg2[%mul3A_2, %dma_start3A] : memref<1024x1024xf32, #tpu.memory_space<hbm>> -> memref<16x1024xf32, #tpu.memory_space<hbm>>
    %dma_start3A_6 = arith.constant 0 : i32
    %dma_start3A_7 = tpu.memref_slice %arg2[%mul3A_2, %dma_start3A_6] : memref<1024x1024xf32, #tpu.memory_space<hbm>> -> memref<16x1024xf32, #tpu.memory_space<hbm>>
    tpu.enqueue_dma source(%dma_start3A_7 : memref<16x1024xf32, #tpu.memory_space<hbm>>) target(%arg8 : memref<16x1024xf32, #tpu.memory_space<vmem>>) target_semaphore(%arg10 : memref<!tpu.dma_semaphore, #tpu.memory_space<semaphore_mem>>)
    %dma_wait3A = arith.constant 0 : i32
    %dma_wait3A_8 = tpu.memref_slice %arg2[%mul3A_2, %dma_wait3A] : memref<1024x1024xf32, #tpu.memory_space<hbm>> -> memref<16x1024xf32, #tpu.memory_space<hbm>>
    %dma_wait3A_9 = arith.constant 0 : i32
    %dma_wait3A_10 = tpu.memref_slice %arg2[%mul3A_2, %dma_wait3A_9] : memref<1024x1024xf32, #tpu.memory_space<hbm>> -> memref<16x1024xf32, #tpu.memory_space<hbm>>
    tpu.wait_dma2 semaphore(%arg10 : memref<!tpu.dma_semaphore, #tpu.memory_space<semaphore_mem>>) src(%dma_wait3A_10 : memref<16x1024xf32, #tpu.memory_space<hbm>>) dst(%arg8 : memref<16x1024xf32, #tpu.memory_space<vmem>>)
    %dma_start3A_11 = arith.constant 0 : i32
    %dma_start3A_12 = arith.constant 0 : i32
    %dma_start3A_13 = tpu.memref_slice %arg4[%dma_start3A_11, %dma_start3A_12] : memref<2048x1024xf32, #tpu.memory_space<hbm>> -> memref<2048x1024xf32, #tpu.memory_space<hbm>>
    tpu.enqueue_indirect_dma source(%arg8 : memref<16x1024xf32, #tpu.memory_space<vmem>>) target(%dma_start3A_13 : memref<2048x1024xf32, #tpu.memory_space<hbm>>) offsets(%arg6 : memref<16xi32, #tpu.memory_space<vmem>>) semaphore(%arg11 : memref<!tpu.dma_semaphore, #tpu.memory_space<semaphore_mem>>)
    %add3A_14 = arith.constant 16 : i32
    %add3A_15 = arith.addi %mul3A_2, %add3A_14 : i32
    %dma_start3A_16 = arith.constant 0 : i32
    %dma_start3A_17 = tpu.memref_slice %arg2[%add3A_15, %dma_start3A_16] : memref<1024x1024xf32, #tpu.memory_space<hbm>> -> memref<16x1024xf32, #tpu.memory_space<hbm>>
    %dma_start3A_18 = arith.constant 0 : i32
    %dma_start3A_19 = tpu.memref_slice %arg2[%add3A_15, %dma_start3A_18] : memref<1024x1024xf32, #tpu.memory_space<hbm>> -> memref<16x1024xf32, #tpu.memory_space<hbm>>
    tpu.enqueue_dma source(%dma_start3A_19 : memref<16x1024xf32, #tpu.memory_space<hbm>>) target(%arg9 : memref<16x1024xf32, #tpu.memory_space<vmem>>) target_semaphore(%arg10 : memref<!tpu.dma_semaphore, #tpu.memory_space<semaphore_mem>>)
    %dma_wait3A_20 = arith.constant 0 : i32
    %dma_wait3A_21 = tpu.memref_slice %arg2[%add3A_15, %dma_wait3A_20] : memref<1024x1024xf32, #tpu.memory_space<hbm>> -> memref<16x1024xf32, #tpu.memory_space<hbm>>
    %dma_wait3A_22 = arith.constant 0 : i32
    %dma_wait3A_23 = tpu.memref_slice %arg2[%add3A_15, %dma_wait3A_22] : memref<1024x1024xf32, #tpu.memory_space<hbm>> -> memref<16x1024xf32, #tpu.memory_space<hbm>>
    tpu.wait_dma2 semaphore(%arg10 : memref<!tpu.dma_semaphore, #tpu.memory_space<semaphore_mem>>) src(%dma_wait3A_23 : memref<16x1024xf32, #tpu.memory_space<hbm>>) dst(%arg9 : memref<16x1024xf32, #tpu.memory_space<vmem>>)
    %dma_start3A_24 = arith.constant 0 : i32
    %dma_start3A_25 = arith.constant 0 : i32
    %dma_start3A_26 = tpu.memref_slice %arg4[%dma_start3A_24, %dma_start3A_25] : memref<2048x1024xf32, #tpu.memory_space<hbm>> -> memref<2048x1024xf32, #tpu.memory_space<hbm>>
    tpu.enqueue_indirect_dma source(%arg9 : memref<16x1024xf32, #tpu.memory_space<vmem>>) target(%dma_start3A_26 : memref<2048x1024xf32, #tpu.memory_space<hbm>>) offsets(%arg7 : memref<16xi32, #tpu.memory_space<vmem>>) semaphore(%arg12 : memref<!tpu.dma_semaphore, #tpu.memory_space<semaphore_mem>>)
    %dma_wait3A_27 = arith.constant 0 : i32
    %dma_wait3A_28 = arith.constant 0 : i32
    %dma_wait3A_29 = tpu.memref_slice %arg4[%dma_wait3A_27, %dma_wait3A_28] : memref<2048x1024xf32, #tpu.memory_space<hbm>> -> memref<2048x1024xf32, #tpu.memory_space<hbm>>
    tpu.wait_indirect_dma semaphore(%arg11 : memref<!tpu.dma_semaphore, #tpu.memory_space<semaphore_mem>>) src(%arg8 : memref<16x1024xf32, #tpu.memory_space<vmem>>) dst(%dma_wait3A_29 : memref<2048x1024xf32, #tpu.memory_space<hbm>>)
    %dma_wait3A_30 = arith.constant 0 : i32
    %dma_wait3A_31 = arith.constant 0 : i32
    %dma_wait3A_32 = tpu.memref_slice %arg4[%dma_wait3A_30, %dma_wait3A_31] : memref<2048x1024xf32, #tpu.memory_space<hbm>> -> memref<2048x1024xf32, #tpu.memory_space<hbm>>
    tpu.wait_indirect_dma semaphore(%arg12 : memref<!tpu.dma_semaphore, #tpu.memory_space<semaphore_mem>>) src(%arg9 : memref<16x1024xf32, #tpu.memory_space<vmem>>) dst(%dma_wait3A_32 : memref<2048x1024xf32, #tpu.memory_space<hbm>>)
    return
  }
}

#map = affine_map<(d0, d1) -> (0, 0)>
#map1 = affine_map<(d0, d1) -> (0)>
module attributes {stable_mosaic.version = 14 : i64} {
  func.func @new_body(%arg0: i32, %arg1: i32, %arg2: memref<1024x1024xf32, #tpu.memory_space<hbm>>, %arg3: memref<1024xi32, #tpu.memory_space<hbm>>, %arg4: memref<2048x1024xf32, #tpu.memory_space<hbm>>, %arg5: memref<2048x1024xf32, #tpu.memory_space<hbm>>, %arg6: memref<16xi32, #tpu.memory_space<vmem>>, %arg7: memref<16xi32, #tpu.memory_space<vmem>>, %arg8: memref<16x1024xf32, #tpu.memory_space<vmem>>, %arg9: memref<16x1024xf32, #tpu.memory_space<vmem>>, %arg10: memref<!tpu.dma_semaphore, #tpu.memory_space<semaphore_mem>>, %arg11: memref<!tpu.dma_semaphore, #tpu.memory_space<semaphore_mem>>, %arg12: memref<!tpu.dma_semaphore, #tpu.memory_space<semaphore_mem>>) attributes {dimension_semantics = [#tpu.dimension_semantics<core_parallel>, #tpu.dimension_semantics<subcore_parallel>], iteration_bounds = array<i64: 2, 16>, scalar_prefetch = 0 : i64, scratch_operands = 7 : i64, tpu.core_type = #tpu.core_type<sc_vector_subcore>, window_params = [{transform_indices = #map}, {transform_indices = #map1}, {transform_indices = #map}, {transform_indices = #map}]} {
    %mul3A = arith.constant 2 : i32
    %mul3A_0 = arith.muli %arg1, %mul3A : i32
    %add3A = arith.addi %mul3A_0, %arg0 : i32
    %mul3A_1 = arith.constant 32 : i32
    %mul3A_2 = arith.muli %add3A, %mul3A_1 : i32
    "tpu.region"() ({
      %run_scoped3A = tpu.sem_alloc : memref<!tpu.dma_semaphore, #tpu.memory_space<semaphore_mem>>
      %dma_start3A_33 = tpu.memref_slice %arg3[%mul3A_2] : memref<1024xi32, #tpu.memory_space<hbm>> -> memref<16xi32, #tpu.memory_space<hbm>>
      %dma_start3A_34 = tpu.memref_slice %arg3[%mul3A_2] : memref<1024xi32, #tpu.memory_space<hbm>> -> memref<16xi32, #tpu.memory_space<hbm>>
      tpu.enqueue_dma source(%dma_start3A_34 : memref<16xi32, #tpu.memory_space<hbm>>) target(%arg6 : memref<16xi32, #tpu.memory_space<vmem>>) target_semaphore(%run_scoped3A : memref<!tpu.dma_semaphore, #tpu.memory_space<semaphore_mem>>)
      %dma_wait3A_35 = tpu.memref_slice %arg3[%mul3A_2] : memref<1024xi32, #tpu.memory_space<hbm>> -> memref<16xi32, #tpu.memory_space<hbm>>
      %dma_wait3A_36 = tpu.memref_slice %arg3[%mul3A_2] : memref<1024xi32, #tpu.memory_space<hbm>> -> memref<16xi32, #tpu.memory_space<hbm>>
      tpu.wait_dma2 semaphore(%run_scoped3A : memref<!tpu.dma_semaphore, #tpu.memory_space<semaphore_mem>>) src(%dma_wait3A_36 : memref<16xi32, #tpu.memory_space<hbm>>) dst(%arg6 : memref<16xi32, #tpu.memory_space<vmem>>)
      tpu.yield
    }) : () -> ()
    %add3A_3 = arith.constant 16 : i32
    %add3A_4 = arith.addi %mul3A_2, %add3A_3 : i32
    "tpu.region"() ({
      %run_scoped3A = tpu.sem_alloc : memref<!tpu.dma_semaphore, #tpu.memory_space<semaphore_mem>>
      %dma_start3A_33 = tpu.memref_slice %arg3[%add3A_4] : memref<1024xi32, #tpu.memory_space<hbm>> -> memref<16xi32, #tpu.memory_space<hbm>>
      %dma_start3A_34 = tpu.memref_slice %arg3[%add3A_4] : memref<1024xi32, #tpu.memory_space<hbm>> -> memref<16xi32, #tpu.memory_space<hbm>>
      tpu.enqueue_dma source(%dma_start3A_34 : memref<16xi32, #tpu.memory_space<hbm>>) target(%arg7 : memref<16xi32, #tpu.memory_space<vmem>>) target_semaphore(%run_scoped3A : memref<!tpu.dma_semaphore, #tpu.memory_space<semaphore_mem>>)
      %dma_wait3A_35 = tpu.memref_slice %arg3[%add3A_4] : memref<1024xi32, #tpu.memory_space<hbm>> -> memref<16xi32, #tpu.memory_space<hbm>>
      %dma_wait3A_36 = tpu.memref_slice %arg3[%add3A_4] : memref<1024xi32, #tpu.memory_space<hbm>> -> memref<16xi32, #tpu.memory_space<hbm>>
      tpu.wait_dma2 semaphore(%run_scoped3A : memref<!tpu.dma_semaphore, #tpu.memory_space<semaphore_mem>>) src(%dma_wait3A_36 : memref<16xi32, #tpu.memory_space<hbm>>) dst(%arg7 : memref<16xi32, #tpu.memory_space<vmem>>)
      tpu.yield
    }) : () -> ()
    %dma_start3A = arith.constant 0 : i32
    %dma_start3A_5 = tpu.memref_slice %arg2[%mul3A_2, %dma_start3A] : memref<1024x1024xf32, #tpu.memory_space<hbm>> -> memref<16x1024xf32, #tpu.memory_space<hbm>>
    %dma_start3A_6 = arith.constant 0 : i32
    %dma_start3A_7 = tpu.memref_slice %arg2[%mul3A_2, %dma_start3A_6] : memref<1024x1024xf32, #tpu.memory_space<hbm>> -> memref<16x1024xf32, #tpu.memory_space<hbm>>
    tpu.enqueue_dma source(%dma_start3A_7 : memref<16x1024xf32, #tpu.memory_space<hbm>>) target(%arg8 : memref<16x1024xf32, #tpu.memory_space<vmem>>) target_semaphore(%arg10 : memref<!tpu.dma_semaphore, #tpu.memory_space<semaphore_mem>>)
    %dma_wait3A = arith.constant 0 : i32
    %dma_wait3A_8 = tpu.memref_slice %arg2[%mul3A_2, %dma_wait3A] : memref<1024x1024xf32, #tpu.memory_space<hbm>> -> memref<16x1024xf32, #tpu.memory_space<hbm>>
    %dma_wait3A_9 = arith.constant 0 : i32
    %dma_wait3A_10 = tpu.memref_slice %arg2[%mul3A_2, %dma_wait3A_9] : memref<1024x1024xf32, #tpu.memory_space<hbm>> -> memref<16x1024xf32, #tpu.memory_space<hbm>>
    tpu.wait_dma2 semaphore(%arg10 : memref<!tpu.dma_semaphore, #tpu.memory_space<semaphore_mem>>) src(%dma_wait3A_10 : memref<16x1024xf32, #tpu.memory_space<hbm>>) dst(%arg8 : memref<16x1024xf32, #tpu.memory_space<vmem>>)
    %dma_start3A_11 = arith.constant 0 : i32
    %dma_start3A_12 = arith.constant 0 : i32
    %dma_start3A_13 = tpu.memref_slice %arg4[%dma_start3A_11, %dma_start3A_12] : memref<2048x1024xf32, #tpu.memory_space<hbm>> -> memref<2048x1024xf32, #tpu.memory_space<hbm>>
    tpu.enqueue_indirect_dma source(%arg8 : memref<16x1024xf32, #tpu.memory_space<vmem>>) target(%dma_start3A_13 : memref<2048x1024xf32, #tpu.memory_space<hbm>>) offsets(%arg6 : memref<16xi32, #tpu.memory_space<vmem>>) semaphore(%arg11 : memref<!tpu.dma_semaphore, #tpu.memory_space<semaphore_mem>>)
    %add3A_14 = arith.constant 16 : i32
    %add3A_15 = arith.addi %mul3A_2, %add3A_14 : i32
    %dma_start3A_16 = arith.constant 0 : i32
    %dma_start3A_17 = tpu.memref_slice %arg2[%add3A_15, %dma_start3A_16] : memref<1024x1024xf32, #tpu.memory_space<hbm>> -> memref<16x1024xf32, #tpu.memory_space<hbm>>
    %dma_start3A_18 = arith.constant 0 : i32
    %dma_start3A_19 = tpu.memref_slice %arg2[%add3A_15, %dma_start3A_18] : memref<1024x1024xf32, #tpu.memory_space<hbm>> -> memref<16x1024xf32, #tpu.memory_space<hbm>>
    tpu.enqueue_dma source(%dma_start3A_19 : memref<16x1024xf32, #tpu.memory_space<hbm>>) target(%arg9 : memref<16x1024xf32, #tpu.memory_space<vmem>>) target_semaphore(%arg10 : memref<!tpu.dma_semaphore, #tpu.memory_space<semaphore_mem>>)
    %dma_wait3A_20 = arith.constant 0 : i32
    %dma_wait3A_21 = tpu.memref_slice %arg2[%add3A_15, %dma_wait3A_20] : memref<1024x1024xf32, #tpu.memory_space<hbm>> -> memref<16x1024xf32, #tpu.memory_space<hbm>>
    %dma_wait3A_22 = arith.constant 0 : i32
    %dma_wait3A_23 = tpu.memref_slice %arg2[%add3A_15, %dma_wait3A_22] : memref<1024x1024xf32, #tpu.memory_space<hbm>> -> memref<16x1024xf32, #tpu.memory_space<hbm>>
    tpu.wait_dma2 semaphore(%arg10 : memref<!tpu.dma_semaphore, #tpu.memory_space<semaphore_mem>>) src(%dma_wait3A_23 : memref<16x1024xf32, #tpu.memory_space<hbm>>) dst(%arg9 : memref<16x1024xf32, #tpu.memory_space<vmem>>)
    %dma_start3A_24 = arith.constant 0 : i32
    %dma_start3A_25 = arith.constant 0 : i32
    %dma_start3A_26 = tpu.memref_slice %arg4[%dma_start3A_24, %dma_start3A_25] : memref<2048x1024xf32, #tpu.memory_space<hbm>> -> memref<2048x1024xf32, #tpu.memory_space<hbm>>
    tpu.enqueue_indirect_dma source(%arg9 : memref<16x1024xf32, #tpu.memory_space<vmem>>) target(%dma_start3A_26 : memref<2048x1024xf32, #tpu.memory_space<hbm>>) offsets(%arg7 : memref<16xi32, #tpu.memory_space<vmem>>) semaphore(%arg12 : memref<!tpu.dma_semaphore, #tpu.memory_space<semaphore_mem>>)
    %dma_wait3A_27 = arith.constant 0 : i32
    %dma_wait3A_28 = arith.constant 0 : i32
    %dma_wait3A_29 = tpu.memref_slice %arg4[%dma_wait3A_27, %dma_wait3A_28] : memref<2048x1024xf32, #tpu.memory_space<hbm>> -> memref<2048x1024xf32, #tpu.memory_space<hbm>>
    tpu.wait_indirect_dma semaphore(%arg11 : memref<!tpu.dma_semaphore, #tpu.memory_space<semaphore_mem>>) src(%arg8 : memref<16x1024xf32, #tpu.memory_space<vmem>>) dst(%dma_wait3A_29 : memref<2048x1024xf32, #tpu.memory_space<hbm>>)
    %dma_wait3A_30 = arith.constant 0 : i32
    %dma_wait3A_31 = arith.constant 0 : i32
    %dma_wait3A_32 = tpu.memref_slice %arg4[%dma_wait3A_30, %dma_wait3A_31] : memref<2048x1024xf32, #tpu.memory_space<hbm>> -> memref<2048x1024xf32, #tpu.memory_space<hbm>>
    tpu.wait_indirect_dma semaphore(%arg12 : memref<!tpu.dma_semaphore, #tpu.memory_space<semaphore_mem>>) src(%arg9 : memref<16x1024xf32, #tpu.memory_space<vmem>>) dst(%dma_wait3A_32 : memref<2048x1024xf32, #tpu.memory_space<hbm>>)
    return
  }
}

module attributes {stable_mosaic.version = 14 : i64} {
  func.func @_router_body(%arg0: i32, %arg1: memref<512x1024xf32, #tpu.memory_space<vmem>>, %arg2: memref<1024x16xf32, #tpu.memory_space<vmem>>, %arg3: memref<1x4x128xi32, #tpu.memory_space<vmem>>, %arg4: memref<1x1xf32, #tpu.memory_space<vmem>>, %arg5: memref<1x16xi32, #tpu.memory_space<vmem>>, %arg6: memref<1x16xi32, #tpu.memory_space<vmem>>, %arg7: memref<1x16xf32, #tpu.memory_space<vmem>>, %arg8: memref<1x16xf32, #tpu.memory_space<vmem>>, %arg9: memref<1x1xf32, #tpu.memory_space<vmem>>) attributes {dimension_semantics = [#tpu.dimension_semantics<arbitrary>], iteration_bounds = array<i64: 4>, scalar_prefetch = 0 : i64, scratch_operands = 3 : i64, tpu.core_type = #tpu.core_type<tc>, window_params = [{transform_indices = @transform_0, window_bounds = array<i64: 512, 1024>}, {pipeline_mode = #tpu.pipeline_mode<synchronous>, transform_indices = @transform_1, window_bounds = array<i64: 1024, 16>}, {transform_indices = @transform_2, window_bounds = array<i64: 1, 4, 128>}, {pipeline_mode = #tpu.pipeline_mode<synchronous>, transform_indices = @transform_3, window_bounds = array<i64: 1, 1>}, {pipeline_mode = #tpu.pipeline_mode<synchronous>, transform_indices = @transform_4, window_bounds = array<i64: 1, 16>}, {pipeline_mode = #tpu.pipeline_mode<synchronous>, transform_indices = @transform_5, window_bounds = array<i64: 1, 16>}]} {
    %eq3A = arith.constant 0 : i32
    %eq3A_0 = arith.cmpi eq, %arg0, %eq3A : i32
    %convert_element_type3A = arith.extui %eq3A_0 : i1 to i32
    %cond3A = arith.constant 0 : i32
    %cond3A_1 = arith.cmpi ne, %convert_element_type3A, %cond3A : i32
    scf.if %cond3A_1 {
      %broadcast_in_dim3A_107 = arith.constant 0.000000e+00 : f32
      %broadcast_in_dim3A_108 = vector.broadcast %broadcast_in_dim3A_107 : f32 to vector<1x16xf32>
      %swap3A_109 = arith.constant 0 : index
      %swap3A_110 = arith.constant 0 : index
      %swap3A_111 = vector.load %arg7[%swap3A_109, %swap3A_110] : memref<1x16xf32, #tpu.memory_space<vmem>>, vector<1x16xf32>
      tpu.vector_store %arg7[%swap3A_109, %swap3A_110], %broadcast_in_dim3A_108 {strides = array<i32>} : memref<1x16xf32, #tpu.memory_space<vmem>>, vector<1x16xf32>,
      %broadcast_in_dim3A_112 = arith.constant 0.000000e+00 : f32
      %broadcast_in_dim3A_113 = vector.broadcast %broadcast_in_dim3A_112 : f32 to vector<1x16xf32>
      %swap3A_114 = arith.constant 0 : index
      %swap3A_115 = arith.constant 0 : index
      %swap3A_116 = vector.load %arg8[%swap3A_114, %swap3A_115] : memref<1x16xf32, #tpu.memory_space<vmem>>, vector<1x16xf32>
      tpu.vector_store %arg8[%swap3A_114, %swap3A_115], %broadcast_in_dim3A_113 {strides = array<i32>} : memref<1x16xf32, #tpu.memory_space<vmem>>, vector<1x16xf32>,
      %broadcast_in_dim3A_117 = arith.constant 0.000000e+00 : f32
      %broadcast_in_dim3A_118 = vector.broadcast %broadcast_in_dim3A_117 : f32 to vector<1x1xf32>
      %swap3A_119 = arith.constant 0 : index
      %swap3A_120 = arith.constant 0 : index
      %swap3A_121 = vector.load %arg9[%swap3A_119, %swap3A_120] : memref<1x1xf32, #tpu.memory_space<vmem>>, vector<1x1xf32>
      tpu.vector_store %arg9[%swap3A_119, %swap3A_120], %broadcast_in_dim3A_118 {strides = array<i32>} : memref<1x1xf32, #tpu.memory_space<vmem>>, vector<1x1xf32>,
    } else {
    }
    %get3A = arith.constant 0 : index
    %get3A_2 = arith.constant 0 : index
    %get3A_3 = vector.load %arg1[%get3A, %get3A_2] : memref<512x1024xf32, #tpu.memory_space<vmem>>, vector<512x1024xf32>
    %get3A_4 = arith.constant 0 : index
    %get3A_5 = arith.constant 0 : index
    %get3A_6 = vector.load %arg2[%get3A_4, %get3A_5] : memref<1024x16xf32, #tpu.memory_space<vmem>>, vector<1024x16xf32>
    %dot_general3A = arith.constant dense<0.000000e+00> : vector<512x16xf32>
    %dot_general3A_7 = tpu.matmul %get3A_3, %get3A_6, %dot_general3A {dimension_numbers = #tpu.dot_dimension_numbers<[1], [0], [0], [1], [0, 0, 1, 1], [], []>, transpose_lhs_hint = false} : vector<512x1024xf32>, vector<1024x16xf32>, vector<512x16xf32> -> vector<512x16xf32>
    %reduce_max3A = arith.constant dense<0xFF800000> : vector<512xf32>
    %reduce_max3A_8 = vector.multi_reduction <maximumf>, %dot_general3A_7, %reduce_max3A [1] : vector<512x16xf32> to vector<512xf32>
    %broadcast_in_dim3A = vector.shape_cast %reduce_max3A_8 : vector<512xf32> to vector<512x1xf32>
    %sub3A = vector.broadcast %broadcast_in_dim3A : vector<512x1xf32> to vector<512x16xf32>
    %sub3A_9 = arith.subf %dot_general3A_7, %sub3A : vector<512x16xf32>
    %exp3A = math.exp %sub3A_9 : vector<512x16xf32>
    %reduce_sum3A = arith.constant dense<0.000000e+00> : vector<512xf32>
    %reduce_sum3A_10 = vector.multi_reduction <add>, %exp3A, %reduce_sum3A [1] : vector<512x16xf32> to vector<512xf32>
    %broadcast_in_dim3A_11 = vector.shape_cast %reduce_sum3A_10 : vector<512xf32> to vector<512x1xf32>
    %div3A = vector.broadcast %broadcast_in_dim3A_11 : vector<512x1xf32> to vector<512x16xf32>
    %div3A_12 = arith.divf %exp3A, %div3A : vector<512x16xf32>
    %reduce_max3A_13 = arith.constant dense<0xFF800000> : vector<512xf32>
    %reduce_max3A_14 = vector.multi_reduction <maximumf>, %div3A_12, %reduce_max3A_13 [1] : vector<512x16xf32> to vector<512xf32>
    %broadcast_in_dim3A_15 = vector.shape_cast %reduce_max3A_14 : vector<512xf32> to vector<512x1xf32>
    %iota3A = tpu.iota {dimensions = array<i32: 1>} : vector<512x16xi32>
    %eq3A_16 = vector.broadcast %broadcast_in_dim3A_15 : vector<512x1xf32> to vector<512x16xf32>
    %eq3A_17 = arith.cmpf oeq, %div3A_12, %eq3A_16 : vector<512x16xf32>
    %jit3A = arith.constant 16 : i32
    %broadcast_in_dim3A_18 = vector.broadcast %jit3A : i32 to vector<512x16xi32>
    %select_n3A = arith.select %eq3A_17, %iota3A, %broadcast_in_dim3A_18 : vector<512x16xi1>, vector<512x16xi32>
    %reduce_min3A = arith.constant dense<2147483647> : vector<512xi32>
    %reduce_min3A_19 = vector.multi_reduction <minsi>, %select_n3A, %reduce_min3A [1] : vector<512x16xi32> to vector<512xi32>
    %broadcast_in_dim3A_20 = vector.shape_cast %reduce_min3A_19 : vector<512xi32> to vector<512x1xi32>
    %eq3A_21 = vector.broadcast %broadcast_in_dim3A_20 : vector<512x1xi32> to vector<512x16xi32>
    %eq3A_22 = arith.cmpi eq, %iota3A, %eq3A_21 : vector<512x16xi32>
    %convert_element_type3A_23 = arith.extui %eq3A_22 : vector<512x16xi1> to vector<512x16xi32>
    %convert_element_type3A_24 = arith.sitofp %convert_element_type3A_23 : vector<512x16xi32> to vector<512x16xf32>
    %get3A_25 = arith.constant 0 : index
    %get3A_26 = arith.constant 0 : index
    %get3A_27 = vector.load %arg7[%get3A_25, %get3A_26] : memref<1x16xf32, #tpu.memory_space<vmem>>, vector<1x16xf32>
    %iota3A_28 = tpu.iota {dimensions = array<i32: 0>} : vector<512x512xi32>
    %iota3A_29 = tpu.iota {dimensions = array<i32: 1>} : vector<512x512xi32>
    %ge3A = arith.cmpi sge, %iota3A_28, %iota3A_29 : vector<512x512xi32>
    %convert_element_type3A_30 = arith.extui %ge3A : vector<512x512xi1> to vector<512x512xi32>
    %convert_element_type3A_31 = arith.sitofp %convert_element_type3A_30 : vector<512x512xi32> to vector<512x512xf32>
    %dot_general3A_32 = arith.constant dense<0.000000e+00> : vector<512x16xf32>
    %dot_general3A_33 = tpu.matmul %convert_element_type3A_31, %convert_element_type3A_24, %dot_general3A_32 {dimension_numbers = #tpu.dot_dimension_numbers<[1], [0], [0], [1], [0, 0, 1, 1], [], []>, transpose_lhs_hint = false} : vector<512x512xf32>, vector<512x16xf32>, vector<512x16xf32> -> vector<512x16xf32>
    %add3A = vector.broadcast %get3A_27 : vector<1x16xf32> to vector<512x16xf32>
    %add3A_34 = arith.addf %dot_general3A_33, %add3A : vector<512x16xf32>
    %sub3A_35 = arith.constant 1.000000e+00 : f32
    %sub3A_36 = vector.broadcast %sub3A_35 : f32 to vector<512x16xf32>
    %sub3A_37 = arith.subf %add3A_34, %sub3A_36 : vector<512x16xf32>
    %mul3A = arith.mulf %sub3A_37, %convert_element_type3A_24 : vector<512x16xf32>
    %reduce_sum3A_38 = arith.constant dense<0.000000e+00> : vector<512xf32>
    %reduce_sum3A_39 = vector.multi_reduction <add>, %mul3A, %reduce_sum3A_38 [1] : vector<512x16xf32> to vector<512xf32>
    %broadcast_in_dim3A_40 = vector.shape_cast %reduce_sum3A_39 : vector<512xf32> to vector<512x1xf32>
    %lt3A = arith.constant 1.280000e+02 : f32
    %lt3A_41 = vector.broadcast %lt3A : f32 to vector<512x1xf32>
    %lt3A_42 = arith.cmpf olt, %broadcast_in_dim3A_40, %lt3A_41 : vector<512x1xf32>
    %jit3A_43 = arith.constant 0.000000e+00 : f32
    %jit3A_44 = arith.constant 1.000000e+00 : f32
    %broadcast_in_dim3A_45 = vector.broadcast %jit3A_43 : f32 to vector<512x1xf32>
    %broadcast_in_dim3A_46 = vector.broadcast %jit3A_44 : f32 to vector<512x1xf32>
    %select_n3A_47 = arith.select %lt3A_42, %broadcast_in_dim3A_45, %broadcast_in_dim3A_46 : vector<512x1xi1>, vector<512x1xf32>
    %dot_general3A_48 = arith.constant dense<0.000000e+00> : vector<512x1xf32>
    %dot_general3A_49 = tpu.matmul %convert_element_type3A_31, %select_n3A_47, %dot_general3A_48 {dimension_numbers = #tpu.dot_dimension_numbers<[1], [0], [0], [1], [0, 0, 1, 1], [], []>, transpose_lhs_hint = false} : vector<512x512xf32>, vector<512x1xf32>, vector<512x1xf32> -> vector<512x1xf32>
    %get3A_50 = arith.constant 0 : index
    %get3A_51 = arith.constant 0 : index
    %get3A_52 = vector.load %arg9[%get3A_50, %get3A_51] : memref<1x1xf32, #tpu.memory_space<vmem>>, vector<1x1xf32>
    %add3A_53 = vector.broadcast %get3A_52 : vector<1x1xf32> to vector<512x1xf32>
    %add3A_54 = arith.addf %dot_general3A_49, %add3A_53 : vector<512x1xf32>
    %sub3A_55 = arith.constant 1.000000e+00 : f32
    %sub3A_56 = vector.broadcast %sub3A_55 : f32 to vector<512x1xf32>
    %sub3A_57 = arith.subf %add3A_54, %sub3A_56 : vector<512x1xf32>
    %convert_element_type3A_58 = arith.fptosi %sub3A_57 : vector<512x1xf32> to vector<512x1xi32>
    %get3A_59 = arith.constant 0 : index
    %get3A_60 = arith.constant 0 : index
    %get3A_61 = vector.load %arg9[%get3A_59, %get3A_60] : memref<1x1xf32, #tpu.memory_space<vmem>>, vector<1x1xf32>
    %reduce_sum3A_62 = arith.constant dense<0.000000e+00> : vector<1xf32>
    %reduce_sum3A_63 = vector.multi_reduction <add>, %select_n3A_47, %reduce_sum3A_62 [0] : vector<512x1xf32> to vector<1xf32>
    %broadcast_in_dim3A_64 = vector.shape_cast %reduce_sum3A_63 : vector<1xf32> to vector<1x1xf32>
    %add3A_65 = arith.addf %get3A_61, %broadcast_in_dim3A_64 : vector<1x1xf32>
    %swap3A = arith.constant 0 : index
    %swap3A_66 = arith.constant 0 : index
    %swap3A_67 = vector.load %arg9[%swap3A, %swap3A_66] : memref<1x1xf32, #tpu.memory_space<vmem>>, vector<1x1xf32>
    tpu.vector_store %arg9[%swap3A, %swap3A_66], %add3A_65 {strides = array<i32>} : memref<1x1xf32, #tpu.memory_space<vmem>>, vector<1x1xf32>,
    %bitcast_convert_type3A = tpu.bitcast %broadcast_in_dim3A_15 : vector<512x1xf32> -> vector<512x1xi32>
    %and3A = arith.constant -4096 : i32
    %and3A_68 = vector.broadcast %and3A : i32 to vector<512x1xi32>
    %and3A_69 = arith.andi %bitcast_convert_type3A, %and3A_68 : vector<512x1xi32>
    %mul3A_70 = arith.constant 128 : i32
    %mul3A_71 = vector.broadcast %mul3A_70 : i32 to vector<512x1xi32>
    %mul3A_72 = arith.muli %broadcast_in_dim3A_20, %mul3A_71 : vector<512x1xi32>
    %convert_element_type3A_73 = arith.fptosi %broadcast_in_dim3A_40 : vector<512x1xf32> to vector<512x1xi32>
    %add3A_74 = arith.addi %mul3A_72, %convert_element_type3A_73 : vector<512x1xi32>
    %or3A = arith.ori %and3A_69, %add3A_74 : vector<512x1xi32>
    %shift_left3A = arith.constant 12 : i32
    %shift_left3A_75 = vector.broadcast %shift_left3A : i32 to vector<512x1xi32>
    %shift_left3A_76 = arith.shli %convert_element_type3A_58, %shift_left3A_75 : vector<512x1xi32>
    %or3A_77 = arith.constant 4095 : i32
    %or3A_78 = vector.broadcast %or3A_77 : i32 to vector<512x1xi32>
    %or3A_79 = arith.ori %shift_left3A_76, %or3A_78 : vector<512x1xi32>
    %select_n3A_80 = arith.select %lt3A_42, %or3A, %or3A_79 : vector<512x1xi1>, vector<512x1xi32>
    %reshape3A = vector.shape_cast %select_n3A_80 : vector<512x1xi32> to vector<1x4x128xi32>
    %swap3A_81 = arith.constant 0 : index
    %swap3A_82 = arith.constant 0 : index
    %swap3A_83 = arith.constant 0 : index
    %swap3A_84 = vector.load %arg3[%swap3A_81, %swap3A_82, %swap3A_83] : memref<1x4x128xi32, #tpu.memory_space<vmem>>, vector<1x4x128xi32>
    tpu.vector_store %arg3[%swap3A_81, %swap3A_82, %swap3A_83], %reshape3A {strides = array<i32>} : memref<1x4x128xi32, #tpu.memory_space<vmem>>, vector<1x4x128xi32>,
    %reduce_sum3A_85 = arith.constant dense<0.000000e+00> : vector<16xf32>
    %reduce_sum3A_86 = vector.multi_reduction <add>, %convert_element_type3A_24, %reduce_sum3A_85 [0] : vector<512x16xf32> to vector<16xf32>
    %broadcast_in_dim3A_87 = vector.shape_cast %reduce_sum3A_86 : vector<16xf32> to vector<1x16xf32>
    %add3A_88 = arith.addf %get3A_27, %broadcast_in_dim3A_87 : vector<1x16xf32>
    %swap3A_89 = arith.constant 0 : index
    %swap3A_90 = arith.constant 0 : index
    %swap3A_91 = vector.load %arg7[%swap3A_89, %swap3A_90] : memref<1x16xf32, #tpu.memory_space<vmem>>, vector<1x16xf32>
    tpu.vector_store %arg7[%swap3A_89, %swap3A_90], %add3A_88 {strides = array<i32>} : memref<1x16xf32, #tpu.memory_space<vmem>>, vector<1x16xf32>,
    %get3A_92 = arith.constant 0 : index
    %get3A_93 = arith.constant 0 : index
    %get3A_94 = vector.load %arg8[%get3A_92, %get3A_93] : memref<1x16xf32, #tpu.memory_space<vmem>>, vector<1x16xf32>
    %reduce_sum3A_95 = arith.constant dense<0.000000e+00> : vector<16xf32>
    %reduce_sum3A_96 = vector.multi_reduction <add>, %div3A_12, %reduce_sum3A_95 [0] : vector<512x16xf32> to vector<16xf32>
    %broadcast_in_dim3A_97 = vector.shape_cast %reduce_sum3A_96 : vector<16xf32> to vector<1x16xf32>
    %add3A_98 = arith.addf %get3A_94, %broadcast_in_dim3A_97 : vector<1x16xf32>
    %swap3A_99 = arith.constant 0 : index
    %swap3A_100 = arith.constant 0 : index
    %swap3A_101 = vector.load %arg8[%swap3A_99, %swap3A_100] : memref<1x16xf32, #tpu.memory_space<vmem>>, vector<1x16xf32>
    tpu.vector_store %arg8[%swap3A_99, %swap3A_100], %add3A_98 {strides = array<i32>} : memref<1x16xf32, #tpu.memory_space<vmem>>, vector<1x16xf32>,
    %eq3A_102 = arith.constant 3 : i32
    %eq3A_103 = arith.cmpi eq, %arg0, %eq3A_102 : i32
    %convert_element_type3A_104 = arith.extui %eq3A_103 : i1 to i32
    %cond3A_105 = arith.constant 0 : i32
    %cond3A_106 = arith.cmpi ne, %convert_element_type3A_104, %cond3A_105 : i32
    scf.if %cond3A_106 {
      %min3A = arith.constant 1.280000e+02 : f32
      %min3A_107 = vector.broadcast %min3A : f32 to vector<1x16xf32>
      %min3A_108 = arith.minimumf %add3A_88, %min3A_107 : vector<1x16xf32>
      %convert_element_type3A_109 = arith.fptosi %min3A_108 : vector<1x16xf32> to vector<1x16xi32>
      %swap3A_110 = arith.constant 0 : index
      %swap3A_111 = arith.constant 0 : index
      %swap3A_112 = vector.load %arg5[%swap3A_110, %swap3A_111] : memref<1x16xi32, #tpu.memory_space<vmem>>, vector<1x16xi32>
      tpu.vector_store %arg5[%swap3A_110, %swap3A_111], %convert_element_type3A_109 {strides = array<i32>} : memref<1x16xi32, #tpu.memory_space<vmem>>, vector<1x16xi32>,
      %mul3A_113 = arith.mulf %add3A_98, %add3A_88 : vector<1x16xf32>
      %reduce_sum3A_114 = arith.constant dense<0.000000e+00> : vector<1xf32>
      %reduce_sum3A_115 = vector.multi_reduction <add>, %mul3A_113, %reduce_sum3A_114 [1] : vector<1x16xf32> to vector<1xf32>
      %broadcast_in_dim3A_116 = vector.shape_cast %reduce_sum3A_115 : vector<1xf32> to vector<1x1xf32>
      %mul3A_117 = arith.constant 3.81469727E-6 : f32
      %mul3A_118 = vector.broadcast %mul3A_117 : f32 to vector<1x1xf32>
      %mul3A_119 = arith.mulf %broadcast_in_dim3A_116, %mul3A_118 : vector<1x1xf32>
      %swap3A_120 = arith.constant 0 : index
      %swap3A_121 = arith.constant 0 : index
      %swap3A_122 = vector.load %arg4[%swap3A_120, %swap3A_121] : memref<1x1xf32, #tpu.memory_space<vmem>>, vector<1x1xf32>
      tpu.vector_store %arg4[%swap3A_120, %swap3A_121], %mul3A_119 {strides = array<i32>} : memref<1x1xf32, #tpu.memory_space<vmem>>, vector<1x1xf32>,
      %iota3A_123 = tpu.iota {dimensions = array<i32: 0>} : vector<16x16xi32>
      %iota3A_124 = tpu.iota {dimensions = array<i32: 1>} : vector<16x16xi32>
      %le3A = arith.cmpi sle, %iota3A_123, %iota3A_124 : vector<16x16xi32>
      %convert_element_type3A_125 = arith.extui %le3A : vector<16x16xi1> to vector<16x16xi32>
      %convert_element_type3A_126 = arith.sitofp %convert_element_type3A_125 : vector<16x16xi32> to vector<16x16xf32>
      %dot_general3A_127 = arith.constant dense<0.000000e+00> : vector<1x16xf32>
      %dot_general3A_128 = tpu.matmul %min3A_108, %convert_element_type3A_126, %dot_general3A_127 {dimension_numbers = #tpu.dot_dimension_numbers<[1], [0], [0], [1], [0, 0, 1, 1], [], []>, transpose_lhs_hint = false} : vector<1x16xf32>, vector<16x16xf32>, vector<1x16xf32> -> vector<1x16xf32>
      %convert_element_type3A_129 = arith.fptosi %dot_general3A_128 : vector<1x16xf32> to vector<1x16xi32>
      %shift_left3A_130 = arith.constant 8 : i32
      %shift_left3A_131 = vector.broadcast %shift_left3A_130 : i32 to vector<1x16xi32>
      %shift_left3A_132 = arith.shli %convert_element_type3A_129, %shift_left3A_131 : vector<1x16xi32>
      %convert_element_type3A_133 = arith.fptosi %min3A_108 : vector<1x16xf32> to vector<1x16xi32>
      %or3A_134 = arith.ori %shift_left3A_132, %convert_element_type3A_133 : vector<1x16xi32>
      %swap3A_135 = arith.constant 0 : index
      %swap3A_136 = arith.constant 0 : index
      %swap3A_137 = vector.load %arg6[%swap3A_135, %swap3A_136] : memref<1x16xi32, #tpu.memory_space<vmem>>, vector<1x16xi32>
      tpu.vector_store %arg6[%swap3A_135, %swap3A_136], %or3A_134 {strides = array<i32>} : memref<1x16xi32, #tpu.memory_space<vmem>>, vector<1x16xi32>,
    } else {
    }
    return
  }
  func.func @transform_0(%arg0: i32) -> (i32, i32) {
    %c0_i32 = arith.constant 0 : i32
    %c0_i32_0 = arith.constant 0 : i32
    return %arg0, %c0_i32 : i32, i32
  }
  func.func @transform_1(%arg0: i32) -> (i32, i32) {
    %c0_i32 = arith.constant 0 : i32
    %c0_i32_0 = arith.constant 0 : i32
    %c0_i32_1 = arith.constant 0 : i32
    return %c0_i32, %c0_i32_0 : i32, i32
  }
  func.func @transform_2(%arg0: i32) -> (i32, i32, i32) {
    %c0_i32 = arith.constant 0 : i32
    %c0_i32_0 = arith.constant 0 : i32
    %c0_i32_1 = arith.constant 0 : i32
    return %arg0, %c0_i32, %c0_i32_0 : i32, i32, i32
  }
  func.func @transform_3(%arg0: i32) -> (i32, i32) {
    %c0_i32 = arith.constant 0 : i32
    %c0_i32_0 = arith.constant 0 : i32
    %c0_i32_1 = arith.constant 0 : i32
    return %c0_i32, %c0_i32_0 : i32, i32
  }
  func.func @transform_4(%arg0: i32) -> (i32, i32) {
    %c0_i32 = arith.constant 0 : i32
    %c0_i32_0 = arith.constant 0 : i32
    %c0_i32_1 = arith.constant 0 : i32
    return %c0_i32, %c0_i32_0 : i32, i32
  }
  func.func @transform_5(%arg0: i32) -> (i32, i32) {
    %c0_i32 = arith.constant 0 : i32
    %c0_i32_0 = arith.constant 0 : i32
    %c0_i32_1 = arith.constant 0 : i32
    return %c0_i32, %c0_i32_0 : i32, i32
  }
}

module attributes {stable_mosaic.version = 14 : i64} {
  func.func @_mlp_body(%arg0: i32, %arg1: memref<1x128x1024xf32, #tpu.memory_space<vmem>>, %arg2: memref<1x1024x1024xf32, #tpu.memory_space<vmem>>, %arg3: memref<1x1x1024xf32, #tpu.memory_space<vmem>>, %arg4: memref<1x1024x1024xf32, #tpu.memory_space<vmem>>, %arg5: memref<1x1x1024xf32, #tpu.memory_space<vmem>>, %arg6: memref<1x128x1xf32, #tpu.memory_space<vmem>>, %arg7: memref<1x128x1024xf32, #tpu.memory_space<vmem>>) attributes {dimension_semantics = [#tpu.dimension_semantics<arbitrary>], iteration_bounds = array<i64: 8>, scalar_prefetch = 0 : i64, scratch_operands = 0 : i64, tpu.core_type = #tpu.core_type<tc>, window_params = [{transform_indices = @transform_0, window_bounds = array<i64: 1, 128, 1024>}, {transform_indices = @transform_1, window_bounds = array<i64: 1, 1024, 1024>}, {transform_indices = @transform_2, window_bounds = array<i64: 1, 1, 1024>}, {transform_indices = @transform_3, window_bounds = array<i64: 1, 1024, 1024>}, {transform_indices = @transform_4, window_bounds = array<i64: 1, 1, 1024>}, {transform_indices = @transform_5, window_bounds = array<i64: 1, 128, 1>}, {transform_indices = @transform_6, window_bounds = array<i64: 1, 128, 1024>}]} {
    %get3A = arith.constant 0 : index
    %get3A_0 = arith.constant 0 : index
    %get3A_1 = arith.constant 0 : index
    %get3A_2 = vector.load %arg1[%get3A, %get3A_0, %get3A_1] : memref<1x128x1024xf32, #tpu.memory_space<vmem>>, vector<1x128x1024xf32>
    %get3A_3 = vector.shape_cast %get3A_2 : vector<1x128x1024xf32> to vector<128x1024xf32>
    %get3A_4 = arith.constant 0 : index
    %get3A_5 = arith.constant 0 : index
    %get3A_6 = arith.constant 0 : index
    %get3A_7 = vector.load %arg2[%get3A_4, %get3A_5, %get3A_6] : memref<1x1024x1024xf32, #tpu.memory_space<vmem>>, vector<1x1024x1024xf32>
    %get3A_8 = vector.shape_cast %get3A_7 : vector<1x1024x1024xf32> to vector<1024x1024xf32>
    %dot_general3A = arith.constant dense<0.000000e+00> : vector<128x1024xf32>
    %dot_general3A_9 = tpu.matmul %get3A_3, %get3A_8, %dot_general3A {dimension_numbers = #tpu.dot_dimension_numbers<[1], [0], [0], [1], [0, 0, 1, 1], [], []>, transpose_lhs_hint = false} : vector<128x1024xf32>, vector<1024x1024xf32>, vector<128x1024xf32> -> vector<128x1024xf32>
    %get3A_10 = arith.constant 0 : index
    %get3A_11 = arith.constant 0 : index
    %get3A_12 = arith.constant 0 : index
    %get3A_13 = vector.load %arg3[%get3A_10, %get3A_11, %get3A_12] : memref<1x1x1024xf32, #tpu.memory_space<vmem>>, vector<1x1x1024xf32>
    %get3A_14 = vector.shape_cast %get3A_13 : vector<1x1x1024xf32> to vector<1x1024xf32>
    %add3A = vector.broadcast %get3A_14 : vector<1x1024xf32> to vector<128x1024xf32>
    %add3A_15 = arith.addf %dot_general3A_9, %add3A : vector<128x1024xf32>
    %integer_pow3A = arith.mulf %add3A_15, %add3A_15 : vector<128x1024xf32>
    %integer_pow3A_16 = arith.mulf %add3A_15, %integer_pow3A : vector<128x1024xf32>
    %mul3A = arith.constant 4.471500e-02 : f32
    %mul3A_17 = vector.broadcast %mul3A : f32 to vector<128x1024xf32>
    %mul3A_18 = arith.mulf %mul3A_17, %integer_pow3A_16 : vector<128x1024xf32>
    %add3A_19 = arith.addf %add3A_15, %mul3A_18 : vector<128x1024xf32>
    %mul3A_20 = arith.constant 0.797884583 : f32
    %mul3A_21 = vector.broadcast %mul3A_20 : f32 to vector<128x1024xf32>
    %mul3A_22 = arith.mulf %mul3A_21, %add3A_19 : vector<128x1024xf32>
    %tanh3A = math.tanh %mul3A_22 : vector<128x1024xf32>
    %add3A_23 = arith.constant 1.000000e+00 : f32
    %add3A_24 = vector.broadcast %add3A_23 : f32 to vector<128x1024xf32>
    %add3A_25 = arith.addf %add3A_24, %tanh3A : vector<128x1024xf32>
    %mul3A_26 = arith.constant 5.000000e-01 : f32
    %mul3A_27 = vector.broadcast %mul3A_26 : f32 to vector<128x1024xf32>
    %mul3A_28 = arith.mulf %mul3A_27, %add3A_25 : vector<128x1024xf32>
    %mul3A_29 = arith.mulf %add3A_15, %mul3A_28 : vector<128x1024xf32>
    %get3A_30 = arith.constant 0 : index
    %get3A_31 = arith.constant 0 : index
    %get3A_32 = arith.constant 0 : index
    %get3A_33 = vector.load %arg4[%get3A_30, %get3A_31, %get3A_32] : memref<1x1024x1024xf32, #tpu.memory_space<vmem>>, vector<1x1024x1024xf32>
    %get3A_34 = vector.shape_cast %get3A_33 : vector<1x1024x1024xf32> to vector<1024x1024xf32>
    %dot_general3A_35 = arith.constant dense<0.000000e+00> : vector<128x1024xf32>
    %dot_general3A_36 = tpu.matmul %mul3A_29, %get3A_34, %dot_general3A_35 {dimension_numbers = #tpu.dot_dimension_numbers<[1], [0], [0], [1], [0, 0, 1, 1], [], []>, transpose_lhs_hint = false} : vector<128x1024xf32>, vector<1024x1024xf32>, vector<128x1024xf32> -> vector<128x1024xf32>
    %get3A_37 = arith.constant 0 : index
    %get3A_38 = arith.constant 0 : index
    %get3A_39 = arith.constant 0 : index
    %get3A_40 = vector.load %arg5[%get3A_37, %get3A_38, %get3A_39] : memref<1x1x1024xf32, #tpu.memory_space<vmem>>, vector<1x1x1024xf32>
    %get3A_41 = vector.shape_cast %get3A_40 : vector<1x1x1024xf32> to vector<1x1024xf32>
    %add3A_42 = vector.broadcast %get3A_41 : vector<1x1024xf32> to vector<128x1024xf32>
    %add3A_43 = arith.addf %dot_general3A_36, %add3A_42 : vector<128x1024xf32>
    %get3A_44 = arith.constant 0 : index
    %get3A_45 = arith.constant 0 : index
    %get3A_46 = arith.constant 0 : index
    %get3A_47 = vector.load %arg6[%get3A_44, %get3A_45, %get3A_46] : memref<1x128x1xf32, #tpu.memory_space<vmem>>, vector<1x128x1xf32>
    %get3A_48 = vector.shape_cast %get3A_47 : vector<1x128x1xf32> to vector<128x1xf32>
    %mul3A_49 = vector.broadcast %get3A_48 : vector<128x1xf32> to vector<128x1024xf32>
    %mul3A_50 = arith.mulf %add3A_43, %mul3A_49 : vector<128x1024xf32>
    %swap3A = arith.constant 0 : index
    %swap3A_51 = arith.constant 0 : index
    %swap3A_52 = arith.constant 0 : index
    %swap3A_53 = vector.load %arg7[%swap3A, %swap3A_51, %swap3A_52] : memref<1x128x1024xf32, #tpu.memory_space<vmem>>, vector<1x128x1024xf32>
    %swap3A_54 = vector.shape_cast %swap3A_53 : vector<1x128x1024xf32> to vector<128x1024xf32>
    %swap3A_55 = vector.shape_cast %mul3A_50 : vector<128x1024xf32> to vector<1x128x1024xf32>
    tpu.vector_store %arg7[%swap3A, %swap3A_51, %swap3A_52], %swap3A_55 {strides = array<i32>} : memref<1x128x1024xf32, #tpu.memory_space<vmem>>, vector<1x128x1024xf32>,
    return
  }
  func.func @transform_0(%arg0: i32) -> (i32, i32, i32) {
    %c0_i32 = arith.constant 0 : i32
    %c0_i32_0 = arith.constant 0 : i32
    %c0_i32_1 = arith.constant 0 : i32
    return %arg0, %c0_i32, %c0_i32_0 : i32, i32, i32
  }
  func.func @transform_1(%arg0: i32) -> (i32, i32, i32) {
    %add3A = arith.constant 0 : i32
    %add3A_0 = arith.addi %arg0, %add3A : i32
    %c0_i32 = arith.constant 0 : i32
    %c0_i32_1 = arith.constant 0 : i32
    %c0_i32_2 = arith.constant 0 : i32
    return %add3A_0, %c0_i32, %c0_i32_1 : i32, i32, i32
  }
  func.func @transform_2(%arg0: i32) -> (i32, i32, i32) {
    %add3A = arith.constant 0 : i32
    %add3A_0 = arith.addi %arg0, %add3A : i32
    %c0_i32 = arith.constant 0 : i32
    %c0_i32_1 = arith.constant 0 : i32
    %c0_i32_2 = arith.constant 0 : i32
    return %add3A_0, %c0_i32, %c0_i32_1 : i32, i32, i32
  }
  func.func @transform_3(%arg0: i32) -> (i32, i32, i32) {
    %add3A = arith.constant 0 : i32
    %add3A_0 = arith.addi %arg0, %add3A : i32
    %c0_i32 = arith.constant 0 : i32
    %c0_i32_1 = arith.constant 0 : i32
    %c0_i32_2 = arith.constant 0 : i32
    return %add3A_0, %c0_i32, %c0_i32_1 : i32, i32, i32
  }
  func.func @transform_4(%arg0: i32) -> (i32, i32, i32) {
    %add3A = arith.constant 0 : i32
    %add3A_0 = arith.addi %arg0, %add3A : i32
    %c0_i32 = arith.constant 0 : i32
    %c0_i32_1 = arith.constant 0 : i32
    %c0_i32_2 = arith.constant 0 : i32
    return %add3A_0, %c0_i32, %c0_i32_1 : i32, i32, i32
  }
  func.func @transform_5(%arg0: i32) -> (i32, i32, i32) {
    %c0_i32 = arith.constant 0 : i32
    %c0_i32_0 = arith.constant 0 : i32
    %c0_i32_1 = arith.constant 0 : i32
    return %arg0, %c0_i32, %c0_i32_0 : i32, i32, i32
  }
  func.func @transform_6(%arg0: i32) -> (i32, i32, i32) {
    %c0_i32 = arith.constant 0 : i32
    %c0_i32_0 = arith.constant 0 : i32
    %c0_i32_1 = arith.constant 0 : i32
    return %arg0, %c0_i32, %c0_i32_0 : i32, i32, i32
  }
}

module attributes {stable_mosaic.version = 14 : i64} {
  func.func @_mlp_body(%arg0: i32, %arg1: memref<1x128x1024xf32, #tpu.memory_space<vmem>>, %arg2: memref<1x1024x1024xf32, #tpu.memory_space<vmem>>, %arg3: memref<1x1x1024xf32, #tpu.memory_space<vmem>>, %arg4: memref<1x1024x1024xf32, #tpu.memory_space<vmem>>, %arg5: memref<1x1x1024xf32, #tpu.memory_space<vmem>>, %arg6: memref<1x128x1xf32, #tpu.memory_space<vmem>>, %arg7: memref<1x128x1024xf32, #tpu.memory_space<vmem>>) attributes {dimension_semantics = [#tpu.dimension_semantics<arbitrary>], iteration_bounds = array<i64: 8>, scalar_prefetch = 0 : i64, scratch_operands = 0 : i64, tpu.core_type = #tpu.core_type<tc>, window_params = [{transform_indices = @transform_0, window_bounds = array<i64: 1, 128, 1024>}, {transform_indices = @transform_1, window_bounds = array<i64: 1, 1024, 1024>}, {transform_indices = @transform_2, window_bounds = array<i64: 1, 1, 1024>}, {transform_indices = @transform_3, window_bounds = array<i64: 1, 1024, 1024>}, {transform_indices = @transform_4, window_bounds = array<i64: 1, 1, 1024>}, {transform_indices = @transform_5, window_bounds = array<i64: 1, 128, 1>}, {transform_indices = @transform_6, window_bounds = array<i64: 1, 128, 1024>}]} {
    %get3A = arith.constant 0 : index
    %get3A_0 = arith.constant 0 : index
    %get3A_1 = arith.constant 0 : index
    %get3A_2 = vector.load %arg1[%get3A, %get3A_0, %get3A_1] : memref<1x128x1024xf32, #tpu.memory_space<vmem>>, vector<1x128x1024xf32>
    %get3A_3 = vector.shape_cast %get3A_2 : vector<1x128x1024xf32> to vector<128x1024xf32>
    %get3A_4 = arith.constant 0 : index
    %get3A_5 = arith.constant 0 : index
    %get3A_6 = arith.constant 0 : index
    %get3A_7 = vector.load %arg2[%get3A_4, %get3A_5, %get3A_6] : memref<1x1024x1024xf32, #tpu.memory_space<vmem>>, vector<1x1024x1024xf32>
    %get3A_8 = vector.shape_cast %get3A_7 : vector<1x1024x1024xf32> to vector<1024x1024xf32>
    %dot_general3A = arith.constant dense<0.000000e+00> : vector<128x1024xf32>
    %dot_general3A_9 = tpu.matmul %get3A_3, %get3A_8, %dot_general3A {dimension_numbers = #tpu.dot_dimension_numbers<[1], [0], [0], [1], [0, 0, 1, 1], [], []>, transpose_lhs_hint = false} : vector<128x1024xf32>, vector<1024x1024xf32>, vector<128x1024xf32> -> vector<128x1024xf32>
    %get3A_10 = arith.constant 0 : index
    %get3A_11 = arith.constant 0 : index
    %get3A_12 = arith.constant 0 : index
    %get3A_13 = vector.load %arg3[%get3A_10, %get3A_11, %get3A_12] : memref<1x1x1024xf32, #tpu.memory_space<vmem>>, vector<1x1x1024xf32>
    %get3A_14 = vector.shape_cast %get3A_13 : vector<1x1x1024xf32> to vector<1x1024xf32>
    %add3A = vector.broadcast %get3A_14 : vector<1x1024xf32> to vector<128x1024xf32>
    %add3A_15 = arith.addf %dot_general3A_9, %add3A : vector<128x1024xf32>
    %integer_pow3A = arith.mulf %add3A_15, %add3A_15 : vector<128x1024xf32>
    %integer_pow3A_16 = arith.mulf %add3A_15, %integer_pow3A : vector<128x1024xf32>
    %mul3A = arith.constant 4.471500e-02 : f32
    %mul3A_17 = vector.broadcast %mul3A : f32 to vector<128x1024xf32>
    %mul3A_18 = arith.mulf %mul3A_17, %integer_pow3A_16 : vector<128x1024xf32>
    %add3A_19 = arith.addf %add3A_15, %mul3A_18 : vector<128x1024xf32>
    %mul3A_20 = arith.constant 0.797884583 : f32
    %mul3A_21 = vector.broadcast %mul3A_20 : f32 to vector<128x1024xf32>
    %mul3A_22 = arith.mulf %mul3A_21, %add3A_19 : vector<128x1024xf32>
    %tanh3A = math.tanh %mul3A_22 : vector<128x1024xf32>
    %add3A_23 = arith.constant 1.000000e+00 : f32
    %add3A_24 = vector.broadcast %add3A_23 : f32 to vector<128x1024xf32>
    %add3A_25 = arith.addf %add3A_24, %tanh3A : vector<128x1024xf32>
    %mul3A_26 = arith.constant 5.000000e-01 : f32
    %mul3A_27 = vector.broadcast %mul3A_26 : f32 to vector<128x1024xf32>
    %mul3A_28 = arith.mulf %mul3A_27, %add3A_25 : vector<128x1024xf32>
    %mul3A_29 = arith.mulf %add3A_15, %mul3A_28 : vector<128x1024xf32>
    %get3A_30 = arith.constant 0 : index
    %get3A_31 = arith.constant 0 : index
    %get3A_32 = arith.constant 0 : index
    %get3A_33 = vector.load %arg4[%get3A_30, %get3A_31, %get3A_32] : memref<1x1024x1024xf32, #tpu.memory_space<vmem>>, vector<1x1024x1024xf32>
    %get3A_34 = vector.shape_cast %get3A_33 : vector<1x1024x1024xf32> to vector<1024x1024xf32>
    %dot_general3A_35 = arith.constant dense<0.000000e+00> : vector<128x1024xf32>
    %dot_general3A_36 = tpu.matmul %mul3A_29, %get3A_34, %dot_general3A_35 {dimension_numbers = #tpu.dot_dimension_numbers<[1], [0], [0], [1], [0, 0, 1, 1], [], []>, transpose_lhs_hint = false} : vector<128x1024xf32>, vector<1024x1024xf32>, vector<128x1024xf32> -> vector<128x1024xf32>
    %get3A_37 = arith.constant 0 : index
    %get3A_38 = arith.constant 0 : index
    %get3A_39 = arith.constant 0 : index
    %get3A_40 = vector.load %arg5[%get3A_37, %get3A_38, %get3A_39] : memref<1x1x1024xf32, #tpu.memory_space<vmem>>, vector<1x1x1024xf32>
    %get3A_41 = vector.shape_cast %get3A_40 : vector<1x1x1024xf32> to vector<1x1024xf32>
    %add3A_42 = vector.broadcast %get3A_41 : vector<1x1024xf32> to vector<128x1024xf32>
    %add3A_43 = arith.addf %dot_general3A_36, %add3A_42 : vector<128x1024xf32>
    %get3A_44 = arith.constant 0 : index
    %get3A_45 = arith.constant 0 : index
    %get3A_46 = arith.constant 0 : index
    %get3A_47 = vector.load %arg6[%get3A_44, %get3A_45, %get3A_46] : memref<1x128x1xf32, #tpu.memory_space<vmem>>, vector<1x128x1xf32>
    %get3A_48 = vector.shape_cast %get3A_47 : vector<1x128x1xf32> to vector<128x1xf32>
    %mul3A_49 = vector.broadcast %get3A_48 : vector<128x1xf32> to vector<128x1024xf32>
    %mul3A_50 = arith.mulf %add3A_43, %mul3A_49 : vector<128x1024xf32>
    %swap3A = arith.constant 0 : index
    %swap3A_51 = arith.constant 0 : index
    %swap3A_52 = arith.constant 0 : index
    %swap3A_53 = vector.load %arg7[%swap3A, %swap3A_51, %swap3A_52] : memref<1x128x1024xf32, #tpu.memory_space<vmem>>, vector<1x128x1024xf32>
    %swap3A_54 = vector.shape_cast %swap3A_53 : vector<1x128x1024xf32> to vector<128x1024xf32>
    %swap3A_55 = vector.shape_cast %mul3A_50 : vector<128x1024xf32> to vector<1x128x1024xf32>
    tpu.vector_store %arg7[%swap3A, %swap3A_51, %swap3A_52], %swap3A_55 {strides = array<i32>} : memref<1x128x1024xf32, #tpu.memory_space<vmem>>, vector<1x128x1024xf32>,
    return
  }
  func.func @transform_0(%arg0: i32) -> (i32, i32, i32) {
    %c0_i32 = arith.constant 0 : i32
    %c0_i32_0 = arith.constant 0 : i32
    %c0_i32_1 = arith.constant 0 : i32
    return %arg0, %c0_i32, %c0_i32_0 : i32, i32, i32
  }
  func.func @transform_1(%arg0: i32) -> (i32, i32, i32) {
    %add3A = arith.constant 8 : i32
    %add3A_0 = arith.addi %arg0, %add3A : i32
    %c0_i32 = arith.constant 0 : i32
    %c0_i32_1 = arith.constant 0 : i32
    %c0_i32_2 = arith.constant 0 : i32
    return %add3A_0, %c0_i32, %c0_i32_1 : i32, i32, i32
  }
  func.func @transform_2(%arg0: i32) -> (i32, i32, i32) {
    %add3A = arith.constant 8 : i32
    %add3A_0 = arith.addi %arg0, %add3A : i32
    %c0_i32 = arith.constant 0 : i32
    %c0_i32_1 = arith.constant 0 : i32
    %c0_i32_2 = arith.constant 0 : i32
    return %add3A_0, %c0_i32, %c0_i32_1 : i32, i32, i32
  }
  func.func @transform_3(%arg0: i32) -> (i32, i32, i32) {
    %add3A = arith.constant 8 : i32
    %add3A_0 = arith.addi %arg0, %add3A : i32
    %c0_i32 = arith.constant 0 : i32
    %c0_i32_1 = arith.constant 0 : i32
    %c0_i32_2 = arith.constant 0 : i32
    return %add3A_0, %c0_i32, %c0_i32_1 : i32, i32, i32
  }
  func.func @transform_4(%arg0: i32) -> (i32, i32, i32) {
    %add3A = arith.constant 8 : i32
    %add3A_0 = arith.addi %arg0, %add3A : i32
    %c0_i32 = arith.constant 0 : i32
    %c0_i32_1 = arith.constant 0 : i32
    %c0_i32_2 = arith.constant 0 : i32
    return %add3A_0, %c0_i32, %c0_i32_1 : i32, i32, i32
  }
  func.func @transform_5(%arg0: i32) -> (i32, i32, i32) {
    %c0_i32 = arith.constant 0 : i32
    %c0_i32_0 = arith.constant 0 : i32
    %c0_i32_1 = arith.constant 0 : i32
    return %arg0, %c0_i32, %c0_i32_0 : i32, i32, i32
  }
  func.func @transform_6(%arg0: i32) -> (i32, i32, i32) {
    %c0_i32 = arith.constant 0 : i32
    %c0_i32_0 = arith.constant 0 : i32
    %c0_i32_1 = arith.constant 0 : i32
    return %arg0, %c0_i32, %c0_i32_0 : i32, i32, i32
  }
}

</mosaic_0001>

<sc_bundles>
// kernel: combine.4.cloned.1.call-start
scs
__scs_entry_jumppad:
0x0: {  	(pc) =	sbr.rel $0x88, $3  }
0x1: {  	(tag) =	ssettag $0x0;
	lr =	simm.s32 $0x1  }
0x2: {  	[smem:$0x3F9B] =	sst lr;
	_ =	strace $0xD0000000  }
0x3: {  	_ = 	snop  }
0x4: {  	_ = 	snop  }
0x5: {  	_ = 	snop  }
0x6: {  	_ = 	snop  }
0x7: {  	_ = 	snop  }
__scs_overlays_trampoline_lowered:
0x8: {  	[smem:$0x3FAA] =	sst s0  }
0x9: {  	[smem:$0x3FAB] =	sst s1  }
0xa: {  	[smem:$0x3FAC] =	sst s2  }
0xb: {  	[smem:$0x3FAD] =	sst s3  }
0xc: {  	[smem:$0x3FAE] =	sst s4  }
0xd: {  	[smem:$0x3FAF] =	sst s5  }
0xe: {  	[smem:$0x3FB0] =	sst s6  }
0xf: {  	[smem:$0x3FB1] =	sst s7  }
0x10: {  	[smem:$0x3FB2] =	sst s8  }
0x11: {  	[smem:$0x3FB3] =	sst s9;
	s0 =	simm.s32 @!p0 $0x0  }
0x12: {  	s1 =	sld [smem:$0x3F99];
	s0 =	simm.s32 @p0 $0x1  }
0x13: {  	[smem:$0x3FB4] =	sst s0;
	s0 =	simm.s32 @!p1 $0x0  }
0x14: {  	s2 =	sld [smem:$0x3F98];
	s0 =	simm.s32 @p1 $0x1  }
0x15: {  	[smem:$0x3FB5] =	sst s0;
	s0 =	simm.s32 @!p2 $0x0  }
0x16: {  	s3 =	sld [smem:$0x3FDB];
	s0 =	simm.s32 @p2 $0x1  }
0x17: {  	s4 =	simm.s32 $0x1BF5;
	[smem:$0x3FB7] =	sst s0  }
0x18: {  	s0 =	sld [smem:$0x3F9A];
	_ =	swait.ge [sflag:s4], $0x0  }
0x19: {  	s7 =	sld [smem:$0x3F9B]  }
0x1a: {  	s8 =	sadd.s32 $0xFFFFE003, lr  }
0x1b: {  	s9 =	sadd.s32 $0xFFFFFEF7, lr;
	s5 =	simm.s32 $0xFFFFFFFF;
	p2 =	slt.u32 s8, $0xFFFFF086  }
0x1c: {  	p1 =	slt.u32 s9, $0xF7A;
	s5 =	simm.s32 @!p2 $0x0  }
0x1d: {  	s5 =	simm.s32 @p1 $0x1;
	p0 =	seq.s32 s7, s2  }
0x1e: {  	s7 =	smul.u32 @!p0 $0xF7A, s2;
	p2 =	seq.s32 @!p0 s5, $0x0  }
0x1f: {  	s9 =	smul.u32 $0xF7A, s1;
	s8 =	simm.s32 @!p0 $0x1BF5;
	p2 =	por !p2, p0  }
0x20: {  	[sflag:s8] =	ssyncset.s32 @!p0 $0xFFFFF086;
	s6 =	sadd.s32 @!p0 s3, s7;
	s7 =	simm.s32 @!p0 $0x108  }
0x21: {  	s3 =	sadd.s32 s3, s9;
	s6 =	sadd.s32 @!p0 $0x88, s6;
	s7 =	simm.s32 @p2 $0x1082  }
0x22: {  	[simem:s7], [sflag:s8] =	dma.local @!p0 [hbm:s6], $0xF7A  }
0x23: {  	s9 =	sor.u32 $0xD0000000, s2;
	s6 =	simm.s32 $0x108;
	_ =	swait.ge @!p0 [sflag:s8], $0x0  }
0x24: {  	s3 =	sadd.s32 $0x88, s3;
	s6 =	simm.s32 @!p1 $0x1082;
	[sflag:s4] =	ssyncset.s32 $0xFFFFF086  }
0x25: {  	[simem:s6], [sflag:s4] =	dma.local [hbm:s3], $0xF7A  }
0x26: {  	[smem:$0x3F9B] =	sst s1;
	(tag) =	ssettag s2;
	_ =	strace s9  }
0x27: {  	s1 =	sld [smem:$0x3FAB]  }
0x28: {  	s2 =	sld [smem:$0x3FAC]  }
0x29: {  	s4 =	sld [smem:$0x3FAE]  }
0x2a: {  	p0 =	seq.s32 s5, $0x0;
	s5 =	sld [smem:$0x3FAF]  }
0x2b: {  	s6 =	sld [smem:$0x3FB0]  }
0x2c: {  	s7 =	sld [smem:$0x3FB1]  }
0x2d: {  	s3 =	simm.s32 $0x108;
	s8 =	sld [smem:$0x3FB2]  }
0x2e: {  	s3 =	simm.s32 @!p0 $0x1082;
	s9 =	sld [smem:$0x3FB3]  }
0x2f: {  	lr =	sadd.s32 s0, s3;
	s0 =	sld [smem:$0x3FAA]  }
0x30: {  	s3 =	sld [smem:$0x3FAD]  }
0x31: {  	[smem:$0x3FB6] =	sst s10  }
0x32: {  	s10 =	sld [smem:$0x3FB4];
	_ =	sdelay $0x3  }
0x33: {  	p0 =	seq.s32 s10, $0x1;
	s10 =	sld [smem:$0x3FB6];
	_ =	sdelay $0x3  }
0x34: {  	[smem:$0x3FB6] =	sst s10  }
0x35: {  	s10 =	sld [smem:$0x3FB5];
	_ =	sdelay $0x3  }
0x36: {  	p1 =	seq.s32 s10, $0x1;
	s10 =	sld [smem:$0x3FB6];
	_ =	sdelay $0x3  }
0x37: {  	[smem:$0x3FB6] =	sst s10  }
0x38: {  	s10 =	sld [smem:$0x3FB7]  }
0x39: {  	_ = 	snop;
	(pc) =	sbr.ind lr, $3  }
0x3a: {  	_ = 	snop  }
0x3b: {  	_ = 	snop  }
0x3c: {  	p2 =	seq.s32 s10, $0x1;
	s10 =	sld [smem:$0x3FB6]  }
0x3d: {  	_ =	shalt  }
0x3e: {  	_ =	shalt  }
0x3f: {  	_ =	shalt  }
0x40: {  	_ =	shalt  }
0x41: {  	_ =	shalt  }
0x42: {  	_ =	shalt  }
0x43: {  	_ =	shalt  }
0x44: {  	_ =	shalt  }
0x45: {  	_ =	shalt  }
0x46: {  	_ =	shalt  }
0x47: {  	_ =	shalt  }
0x48: {  	_ =	shalt  }
0x49: {  	_ =	shalt  }
0x4a: {  	_ =	shalt  }
0x4b: {  	_ =	shalt  }
0x4c: {  	_ =	shalt  }
0x4d: {  	_ =	shalt  }
0x4e: {  	_ =	shalt  }
0x4f: {  	_ =	shalt  }
0x50: {  	_ =	shalt  }
0x51: {  	_ =	shalt  }
0x52: {  	_ =	shalt  }
0x53: {  	_ =	shalt  }
0x54: {  	_ =	shalt  }
0x55: {  	_ =	shalt  }
0x56: {  	_ =	shalt  }
0x57: {  	_ =	shalt  }
0x58: {  	_ =	shalt  }
0x59: {  	_ =	shalt  }
0x5a: {  	_ =	shalt  }
0x5b: {  	_ =	shalt  }
0x5c: {  	_ =	shalt  }
0x5d: {  	_ =	shalt  }
0x5e: {  	_ =	shalt  }
0x5f: {  	_ =	shalt  }
0x60: {  	_ =	shalt  }
0x61: {  	_ =	shalt  }
0x62: {  	_ =	shalt  }
0x63: {  	_ =	shalt  }
0x64: {  	_ =	shalt  }
0x65: {  	_ =	shalt  }
0x66: {  	_ =	shalt  }
0x67: {  	_ =	shalt  }
0x68: {  	_ =	shalt  }
0x69: {  	_ =	shalt  }
0x6a: {  	_ =	shalt  }
0x6b: {  	_ =	shalt  }
0x6c: {  	_ =	shalt  }
0x6d: {  	_ =	shalt  }
0x6e: {  	_ =	shalt  }
0x6f: {  	_ =	shalt  }
0x70: {  	_ =	shalt  }
0x71: {  	_ =	shalt  }
0x72: {  	_ =	shalt  }
0x73: {  	_ =	shalt  }
0x74: {  	_ =	shalt  }
0x75: {  	_ =	shalt  }
0x76: {  	_ =	shalt  }
0x77: {  	_ =	shalt  }
0x78: {  	_ =	shalt  }
0x79: {  	_ =	shalt  }
0x7a: {  	_ =	shalt  }
0x7b: {  	_ =	shalt  }
0x7c: {  	_ =	shalt  }
0x7d: {  	_ =	shalt  }
0x7e: {  	_ =	shalt  }
0x7f: {  	_ =	shalt  }
0x80: {  	_ =	shalt  }
0x81: {  	_ =	shalt  }
0x82: {  	_ =	shalt  }
0x83: {  	_ =	shalt  }
0x84: {  	_ =	shalt  }
0x85: {  	_ =	shalt  }
0x86: {  	_ =	shalt  }
0x87: {  	_ =	shalt  }
.Lfunc_end0:
.L_simem_size_0:
called_computation.2_lowered:
.L_overlay_start_0:
0x88: {  	s2 =	sld [smem:$0x3FD9]  }
0x89: {  	s3 =	sld [smem:$0x3FFE];
	_ =	sdelay $0x1  }
0x8a: {  	s1 =	srdreg.scid  }
0x8b: {  	s0 =	sand.u32 $0x1, s1  }
0x8c: {  	s15 =	sshll.u32 s0, $0xA;
	s2 =	sadd.s32 s3, s2  }
0x8d: {  	s2 =	sadd.s32 s2, s15  }
0x8e: {  	[smem:$0x3FC2] =	sst s2  }
0x8f: {  	_ = 	snop  }
0x90: {  	s2 =	sld [smem:$0x3FD0];
	_ =	sdelay $0x2  }
0x91: {  	s16 =	simm.s32 $0xB;
	s4 =	simm.s32 $0x10  }
0x92: {  	[smem:s4], [sflag:s16] =	dma.local [hbm:s2], $0x1  }
0x93: {  	_ =	swait.eq [sflag:s16], $0x1  }
0x94: {  	[sflag:s16] =	ssyncset.done $0x0  }
0x95: {  	[sflag:s16] =	ssyncadd.s32 $0xFFFFFFFF  }
0x96: {  	s17 =	sld [smem:$0x10];
	(tm) =	ssettm $0x1  }
0x97: {  	s18 =	sld [smem:$0x3FFB];
	_ =	sdelay $0x3  }
0x98: {  	_ =	strace s18  }
0x99: {  	s2 =	sld [smem:$0x3FFC];
	_ =	sdelay $0x3  }
0x9a: {  	_ =	strace s2  }
0x9b: {  	s2 =	sld [smem:$0x3FFD];
	_ =	sdelay $0x3  }
0x9c: {  	_ =	strace s2  }
0x9d: {  	_ =	strace $0x8FFFFFFF  }
0x9e: {  	s19 =	sld [smem:$0x3FDB];
	_ =	sdelay $0x1  }
0x9f: {  	s20 =	simm.s32 $_scs_section_size  }
0xa0: {  	s5 =	simm.s32 $_size__tile_overlayer_lowered;
	s6 =	simm.s32 $_tile_overlayer_lowered  }
0xa1: {  	s7 =	simm.s32 $0x1BFF;
	s21 =	sshll.u32 s6, $0x1;
	s4 =	sadd.s32 s20, s19  }
0xa2: {  	s22 =	simm.s32 $0x0;
	s5 =	sshll.u32 s5, $0x1;
	s6 =	sadd.s32 s21, s4  }
0xa3: {  	[timem:s22], [sflag:s7] =	dma.local [hbm:s6], s5  }
0xa4: {  	_ =	swait.ge [sflag:s7], s5  }
0xa5: {  	s5 =	ssub.s32 $0x0, s5;
	[sflag:s7] =	ssyncset.done $0x0  }
0xa6: {  	[sflag:s7] =	ssyncadd.s32 s5;
	_ =	sdelay $0x1  }
0xa7: {  	s23 =	simm.s32 $0x1B8B  }
0xa8: {  	_ =	swait.ge [sflag:s23], $0x1  }
0xa9: {  	[sflag:s23] =	ssyncset.done $0x0  }
0xaa: {  	[sflag:s23] =	ssyncadd.s32 $0xFFFFFFFF  }
0xab: {  	s5 =	sld [smem:$0x0]  }
0xac: {  	s6 =	sand.u32 $0xFFFFFFFE, s1  }
0xad: {  	p0 =	sne.s32 s1, s6  }
0xae: {  	s6 =	sshll.u32 @p0 s6, $0xE  }
0xaf: {  	s6 =	sadd.s32 @p0 $0x11B8D, s6;
	s7 =	sshll.u32 @p0 s5, $0x11  }
0xb0: {  	s6 =	sor.u32 @p0 s7, s6  }
0xb1: {  	[sflag:s6] =	ssyncadd.remote.s32 @p0 $0x1;
	_ =	sdelay $0x1  }
0xb2: {  	s6 =	simm.s32 @p0 $0x1B8D  }
0xb3: {  	_ =	swait.eq @p0 [sflag:s6], $0x1  }
0xb4: {  	[sflag:s6] =	ssyncadd.s32 @p0 $0xFFFFFFFF  }
0xb5: {  	s7 =	sshll.u32 @!p0 s1, $0xE  }
0xb6: {  	s7 =	sor.u32 @!p0 $0x4000, s7;
	s6 =	simm.s32 @!p0 $0x1B8D  }
0xb7: {  	s5 =	sshll.u32 @!p0 s5, $0x11;
	s7 =	sadd.s32 @!p0 $0x11B8D, s7;
	_ =	swait.eq @!p0 [sflag:s6], $0x1  }
0xb8: {  	s5 =	sor.u32 @!p0 s5, s7;
	[sflag:s6] =	ssyncadd.s32 @!p0 $0xFFFFFFFF  }
0xb9: {  	s25 =	simm.s32 $0x1B8E;
	s24 =	sld [smem:$0x3FFE];
	[sflag:s5] =	ssyncadd.remote.s32 @!p0 $0x1  }
0xba: {  	s26 =	simm.s32 $execute0_lowered;
	[smem:$0x3FD2] =	sst s25  }
0xbb: {  	s6 =	sshll.u32 s26, $0x1;
	_ =	strace $0x8000004C;
	[dreg:$0x1] =	wrdreg $0xFFFFFFFF  }
0xbc: {  	s28 =	simm.s32 $_size_execute0_lowered;
	s4 =	sadd.s32 s4, s6;
	[dreg:$0x0] =	wrdreg $0x0  }
0xbd: {  	s6 =	sshll.u32 s28, $0x1;
	[dreg:$0x2] =	wrdreg s4  }
0xbe: {  	[dreg:$0x3] =	wrdreg s6  }
0xbf: {  	[dreg:$0x4] =	wrdreg $0xC0  }
0xc0: {  	_ =	task [dreg:s22], $0x5FFFF  }
0xc1: {  	[dreg:$0x1] =	wrdreg $0xFFFFFFFF  }
0xc2: {  	[dreg:$0x0] =	wrdreg $0x60  }
0xc3: {  	[dreg:$0x2] =	wrdreg s24  }
0xc4: {  	[dreg:$0x3] =	wrdreg s17  }
0xc5: {  	[dreg:$0x4] =	wrdreg $0xA  }
0xc6: {  	_ =	task.clear_ibuf [dreg:s22], $0x5FFFF;
	_ =	strace $0x9000004C  }
0xc7: {  	s29 =	simm.s32 $0xA;
	_ =	strace $0x8000004E  }
0xc8: {  	_ =	swait.ge [sflag:s29], $0x1  }
0xc9: {  	[sflag:s29] =	ssyncadd.s32 $0xFFFFFFFF  }
0xca: {  	_ =	strace $0x9000004E  }
0xcb: {  	_ =	sfence  }
0xcc: {  	s30 =	sld [smem:$0x0];
	_ =	sdelay $0x2  }
0xcd: {  	s31 =	sshll.u32 s1, $0xD;
	s1 =	sshrl.u32 s1, $0x2  }
0xce: {  	s4 =	sand.u32 $0x4000, s31;
	s1 =	sadd.s32 s1, s30  }
0xcf: {  	s0 =	sor.u32 s4, s0;
	s1 =	sshll.u32 s1, $0x11  }
0xd0: {  	s0 =	sor.u32 s1, s0  }
0xd1: {  	s0 =	sadd.s32 $0x8F2B, s0  }
0xd2: {  	[sflag:s0] =	ssyncadd.remote.s32 $0x1  }
0xd3: {  	_ =	sfence.sel $0xFFFF  }
0xd4: {  	[dreg:$0x0] =	wrdreg $0xFFFFFFFF;
	(pc) =	sbr.abs _section_cstart, $3  }
0xd5: {  	[dreg:$0x1] =	wrdreg $0xFFFFFFFF  }
0xd6: {  	_ =	task.clear_ibuf [dreg:s22], $0x2FFFF;
	_ =	strace $0x9FFFFFFF  }
0xd7: {  	(tm) =	ssettm $0x7FFFFFFF  }
tec
execute0_lowered:
.L_overlay_start_1:
0x0: {  	(tag) =	ssettag $0x1  }
0x1: {  	s0 =	rddreg [dreg:$0x0]  }
0x2: {  	s1 =	rddreg [dreg:$0x1];
	s2 =	simm.s32 $0x0  }
0x3: {  	s4 =	srdreg.scid;
	s3 =	stileid.u32;
	s11 =	simm.s32 $0x4  }
0x4: {  	s12 =	simm.s32 $0x80;
	s13 =	simm.s32 $0x100;
	s14 =	simm.s32 $0x1  }
0x5: {  	s15 =	simm.s32 $0x900;
	s16 =	simm.s32 $0x1100;
	s17 =	simm.s32 $0x1900  }
0x6: {  	s18 =	simm.s32 $0x2100;
	s19 =	simm.s32 $0x2900;
	s20 =	simm.s32 $0x3100  }
0x7: {  	s21 =	simm.s32 $0x3900;
	s22 =	simm.s32 $0x4100;
	s28 =	simm.s32 $0x6900  }
0x8: {  	s29 =	simm.s32 $0x7100;
	s30 =	simm.s32 $0x7900;
	s31 =	simm.s32 $0x2  }
0x9: {  	[smem:$0x7FF] =	sst s2;
	s9 =	sadd.s32 $0x3200, s0;
	s4 =	sand.u32 $0x1, s4  }
0xa: {  	s6 =	sshll.u32 s3, $0x6;
	s0 =	sadd.s32 $0x23400, s0;
	s5 =	ssub.s32 $0x2, s4  }
0xb: {  	_ =	strace $0x8000004D;
	s4 =	sshll.u32 s4, $0x5;
	s7 =	sshrl.u32 s5, $0x1  }
0xc: {  	s4 =	sor.u32 s4, s6;
	s6 =	sadd.s32 $0x100, s1;
	s10 =	ssub.s32 s5, s7  }
0xd: {  	s23 =	sshrl.u32 s4, $0x3;
	s8 =	sor.u32 $0x10, s4;
	s25 =	sshll.u32 s4, $0x7  }
0xe: {  	s7 =	sadd.s32 $0x200, s1;
	s5 =	sadd.s32 s0, s23;
	s24 =	sshrl.u32 s8, $0x3  }
0xf: {  	s26 =	sshll.u32 s8, $0x7;
	s8 =	sadd.s32 $0x300, s1;
	s10 =	smax.u32 s10, $0x1  }
0x10: {  	v2 =	vlaneseq.u32;
	s23 =	simm.s32 $0x4900;
	[dreg:$0x3] =	wrdreg s5;
	s4 =	sadd.s32 s0, s24  }
0x11: {  	vm0 =	vmmov $0xffff;
	v1 =	vshrl.u32 v2, $0x3;
	s5 =	sadd.s32 s9, s25;
	s9 =	sadd.s32 s9, s26;
	s24 =	simm.s32 $0x5100  }
0x12: {  	v0 =	vand.u32 $0x7, v2;
	v2 =	vor.u32 $0x8, v2;
	v1 =	vmul.u32 $0x8, v1;
	s25 =	simm.s32 $0x5900;
	s26 =	simm.s32 $0x6100;
	s0 =	simm.s32 $0x3  }
.LBB2_1:
0x13: {  	s3 =	rddreg [dreg:$0x3]  }
0x14: {  	[tilespmem:s2], [sflag:$0x4] =	stream.linear.gather [hbm4b:s3+s2], $0x10, $0x38;
	[tilespmem:$0x8100] =	vst v63  }
0x15: {  	_ =	swait.ge [sflag:s11], $0x10  }
0x16: {  	[sflag:s11] =	ssyncset.done $0x0  }
0x17: {  	[sflag:s11] =	ssyncadd.s32 $0xFFFFFFF0  }
0x18: {  	[tilespmem:s12], [sflag:$0x4] =	stream.linear.gather [hbm4b:s4+s2], $0x10, $0x38;
	[tilespmem:$0x8100] =	vst v63  }
0x19: {  	_ =	swait.ge [sflag:s11], $0x10  }
0x1a: {  	[sflag:s11] =	ssyncset.done $0x0  }
0x1b: {  	[sflag:s11] =	ssyncadd.s32 $0xFFFFFFF0  }
0x1c: {  	[tilespmem:s13], [sflag:$0x1] =	stream.linear.gather [hbm4b:s5+s2], $0x4000, $0x38;
	[tilespmem:$0x8100] =	vst v63  }
0x1d: {  	_ =	swait.ge [sflag:s14], $0x4000  }
0x1e: {  	[sflag:s14] =	ssyncset.done $0x0  }
0x1f: {  	[sflag:s14] =	ssyncadd.s32 $0xFFFFC000  }
0x20: {  	v3 =	vld [tilespmem:$0x0];
	_ =	sdelay $0x4  }
0x21: {  	v4 =	vshll.u32 v3, $0x3  }
0x22: {  	v3 =	vand.u32 $0x7, v3;
	v4 =	vand.u32 $0xFFFFFFC0, v4  }
0x23: {  	v3 =	vor.u32 v3, v4  }
0x24: {  	v4 =	vperm.xlane v3, v0;
	_ =	sdelay $0x1  }
0x25: {  	v4 =	vadd.s32 v1, v4;
	_ =	sdelay $0x4  }
0x26: {  	[hbm4b:s1+s2] =	stream.indirect_vreg.scatter [tilespmem:s13], [sflag:$0x2], $0x80, v4, vm0, $0xb8;
	[tilespmem:$0x8100] =	vst v63  }
0x27: {  	v3 =	vperm.xlane v3, v2  }
0x28: {  	[hbm4b:s6+s2] =	stream.indirect_vreg.scatter [tilespmem:s15], [sflag:$0x2], $0x80, v4, vm0, $0xb8;
	[tilespmem:$0x8100] =	vst v63  }
0x29: {  	v3 =	vadd.s32 v1, v3  }
0x2a: {  	[hbm4b:s7+s2] =	stream.indirect_vreg.scatter [tilespmem:s16], [sflag:$0x2], $0x80, v4, vm0, $0xb8;
	[tilespmem:$0x8100] =	vst v63  }
0x2b: {  	_ = 	snop  }
0x2c: {  	[hbm4b:s8+s2] =	stream.indirect_vreg.scatter [tilespmem:s17], [sflag:$0x2], $0x80, v4, vm0, $0xb8;
	[tilespmem:$0x8100] =	vst v63  }
0x2d: {  	_ = 	snop  }
0x2e: {  	[hbm4b:s1+s2] =	stream.indirect_vreg.scatter [tilespmem:s18], [sflag:$0x2], $0x80, v3, vm0, $0xb8;
	[tilespmem:$0x8100] =	vst v63  }
0x2f: {  	_ = 	snop  }
0x30: {  	[hbm4b:s6+s2] =	stream.indirect_vreg.scatter [tilespmem:s19], [sflag:$0x2], $0x80, v3, vm0, $0xb8;
	[tilespmem:$0x8100] =	vst v63  }
0x31: {  	_ = 	snop  }
0x32: {  	[hbm4b:s7+s2] =	stream.indirect_vreg.scatter [tilespmem:s20], [sflag:$0x2], $0x80, v3, vm0, $0xb8;
	[tilespmem:$0x8100] =	vst v63  }
0x33: {  	_ = 	snop  }
0x34: {  	[hbm4b:s8+s2] =	stream.indirect_vreg.scatter [tilespmem:s21], [sflag:$0x2], $0x80, v3, vm0, $0xb8;
	[tilespmem:$0x8100] =	vst v63  }
0x35: {  	_ = 	snop  }
0x36: {  	[tilespmem:s22], [sflag:$0x1] =	stream.linear.gather [hbm4b:s9+s2], $0x4000, $0x38;
	[tilespmem:$0x8100] =	vst v63  }
0x37: {  	_ =	swait.ge [sflag:s14], $0x4000  }
0x38: {  	[sflag:s14] =	ssyncset.done $0x0  }
0x39: {  	[sflag:s14] =	ssyncadd.s32 $0xFFFFC000  }
0x3a: {  	v3 =	vld [tilespmem:$0x80];
	_ =	sdelay $0x4  }
0x3b: {  	v63 =	vshll.u32 v3, $0x3  }
0x3c: {  	v3 =	vand.u32 $0x7, v3;
	v4 =	vand.u32 $0xFFFFFFC0, v63  }
0x3d: {  	v3 =	vor.u32 v3, v4  }
0x3e: {  	v4 =	vperm.xlane v3, v0;
	_ =	sdelay $0x1  }
0x3f: {  	v4 =	vadd.s32 v1, v4;
	_ =	sdelay $0x4  }
0x40: {  	[hbm4b:s1+s2] =	stream.indirect_vreg.scatter [tilespmem:s22], [sflag:$0x3], $0x80, v4, vm0, $0xb8;
	[tilespmem:$0x8100] =	vst v63  }
0x41: {  	v3 =	vperm.xlane v3, v2  }
0x42: {  	[hbm4b:s6+s2] =	stream.indirect_vreg.scatter [tilespmem:s23], [sflag:$0x3], $0x80, v4, vm0, $0xb8;
	[tilespmem:$0x8100] =	vst v63  }
0x43: {  	v3 =	vadd.s32 v1, v3  }
0x44: {  	[hbm4b:s7+s2] =	stream.indirect_vreg.scatter [tilespmem:s24], [sflag:$0x3], $0x80, v4, vm0, $0xb8;
	[tilespmem:$0x8100] =	vst v63  }
0x45: {  	_ = 	snop  }
0x46: {  	[hbm4b:s8+s2] =	stream.indirect_vreg.scatter [tilespmem:s25], [sflag:$0x3], $0x80, v4, vm0, $0xb8;
	[tilespmem:$0x8100] =	vst v63  }
0x47: {  	_ = 	snop  }
0x48: {  	[hbm4b:s1+s2] =	stream.indirect_vreg.scatter [tilespmem:s26], [sflag:$0x3], $0x80, v3, vm0, $0xb8;
	[tilespmem:$0x8100] =	vst v63  }
0x49: {  	_ = 	snop  }
0x4a: {  	[hbm4b:s6+s2] =	stream.indirect_vreg.scatter [tilespmem:s28], [sflag:$0x3], $0x80, v3, vm0, $0xb8;
	[tilespmem:$0x8100] =	vst v63  }
0x4b: {  	_ = 	snop  }
0x4c: {  	[hbm4b:s7+s2] =	stream.indirect_vreg.scatter [tilespmem:s29], [sflag:$0x3], $0x80, v3, vm0, $0xb8;
	[tilespmem:$0x8100] =	vst v63  }
0x4d: {  	_ = 	snop  }
0x4e: {  	[hbm4b:s8+s2] =	stream.indirect_vreg.scatter [tilespmem:s30], [sflag:$0x3], $0x80, v3, vm0, $0xb8;
	[tilespmem:$0x8100] =	vst v63  }
0x4f: {  	p0 =	sne.s32 s10, $0x1;
	_ =	swait.ge [sflag:s31], $0x4000  }
.Ltmp0:
0x50: {  	[sflag:s31] =	ssyncset.done $0x0;
	(pc) =	sbr.rel @p0 .LBB2_1-.Ltmp0, $4  }
0x51: {  	[sflag:s31] =	ssyncadd.s32 $0xFFFFC000  }
0x52: {  	_ =	swait.ge [sflag:s0], $0x4000  }
0x53: {  	[sflag:s0] =	ssyncset.done $0x0  }
0x54: {  	s10 =	sadd.s32 $0xFFFFFFFF, s10;
	[sflag:s0] =	ssyncadd.s32 $0xFFFFC000  }
0x55: {  	_ =	sfence.sel $0x180000  }
0x56: {  	[bflag:$0x0] =	sbarrier.arrive $0xFFFF  }
0x57: {  	_ =	strace $0x9000004D  }
0x58: {  	s0 =	stileid.u32;
	[bflag:$0x2] =	sbarrier.arrive $0xFFFF  }
0x59: {  	p0 =	sne.s32 s0, $0x0;
	s0 =	rddreg [dreg:$0x2]  }
0x5a: {  	s0 =	sadd.s32 @!p0 $0x100000, s0  }
0x5b: {  	[sflag:s0] =	ssyncadd.tile.s32 @!p0 $0x1;
	_ =	shalt  }
.Lfunc_end2:
_tile_overlayer_lowered:
.L_overlay_start_2:
0x5c: {  	(tag) =	ssettag $0x2  }
0x5d: {  	s0 =	rddreg [dreg:$0x0];
	s2 =	stileid.u32  }
0x5e: {  	s1 =	rddreg [dreg:$0x1];
	p0 =	sne.s32 s2, $0x0  }
0x5f: {  	s3 =	rddreg [dreg:$0x2];
	[bflag:$0x3] =	sbarrier.arrive $0xFFFF;
	s2 =	simm.s32 @!p0 $0x1C04  }
0x60: {  	[timem:s3], [sflag:s2] =	dma.local @!p0 [hbm:s0], s1  }
0x61: {  	s0 =	simm.s32 @!p0 $0x4  }
0x62: {  	_ =	swait.ge @!p0 [sflag:s0], s1  }
0x63: {  	s1 =	ssub.s32 @!p0 $0x0, s1;
	[sflag:s0] =	ssyncset.done @!p0 $0x0  }
0x64: {  	[sflag:s0] =	ssyncadd.s32 @!p0 s1  }
0x65: {  	[bflag:$0x3] =	sbarrier.arrive $0xFFFF  }
0x66: {  	_ =	shalt  }

// kernel: combine.7.cloned.1.call-start
scs
__scs_entry_jumppad:
0x0: {  	(pc) =	sbr.rel $0x88, $3  }
0x1: {  	(tag) =	ssettag $0x0;
	lr =	simm.s32 $0x1  }
0x2: {  	[smem:$0x3F9B] =	sst lr;
	_ =	strace $0xD0000000  }
0x3: {  	_ = 	snop  }
0x4: {  	_ = 	snop  }
0x5: {  	_ = 	snop  }
0x6: {  	_ = 	snop  }
0x7: {  	_ = 	snop  }
__scs_overlays_trampoline_lowered:
0x8: {  	[smem:$0x3FAA] =	sst s0  }
0x9: {  	[smem:$0x3FAB] =	sst s1  }
0xa: {  	[smem:$0x3FAC] =	sst s2  }
0xb: {  	[smem:$0x3FAD] =	sst s3  }
0xc: {  	[smem:$0x3FAE] =	sst s4  }
0xd: {  	[smem:$0x3FAF] =	sst s5  }
0xe: {  	[smem:$0x3FB0] =	sst s6  }
0xf: {  	[smem:$0x3FB1] =	sst s7  }
0x10: {  	[smem:$0x3FB2] =	sst s8  }
0x11: {  	[smem:$0x3FB3] =	sst s9;
	s0 =	simm.s32 @!p0 $0x0  }
0x12: {  	s1 =	sld [smem:$0x3F99];
	s0 =	simm.s32 @p0 $0x1  }
0x13: {  	[smem:$0x3FB4] =	sst s0;
	s0 =	simm.s32 @!p1 $0x0  }
0x14: {  	s2 =	sld [smem:$0x3F98];
	s0 =	simm.s32 @p1 $0x1  }
0x15: {  	[smem:$0x3FB5] =	sst s0;
	s0 =	simm.s32 @!p2 $0x0  }
0x16: {  	s3 =	sld [smem:$0x3FDB];
	s0 =	simm.s32 @p2 $0x1  }
0x17: {  	s4 =	simm.s32 $0x1BF5;
	[smem:$0x3FB7] =	sst s0  }
0x18: {  	s0 =	sld [smem:$0x3F9A];
	_ =	swait.ge [sflag:s4], $0x0  }
0x19: {  	s7 =	sld [smem:$0x3F9B]  }
0x1a: {  	s8 =	sadd.s32 $0xFFFFE003, lr  }
0x1b: {  	s9 =	sadd.s32 $0xFFFFFEF7, lr;
	s5 =	simm.s32 $0xFFFFFFFF;
	p2 =	slt.u32 s8, $0xFFFFF086  }
0x1c: {  	p1 =	slt.u32 s9, $0xF7A;
	s5 =	simm.s32 @!p2 $0x0  }
0x1d: {  	s5 =	simm.s32 @p1 $0x1;
	p0 =	seq.s32 s7, s2  }
0x1e: {  	s7 =	smul.u32 @!p0 $0xF7A, s2;
	p2 =	seq.s32 @!p0 s5, $0x0  }
0x1f: {  	s9 =	smul.u32 $0xF7A, s1;
	s8 =	simm.s32 @!p0 $0x1BF5;
	p2 =	por !p2, p0  }
0x20: {  	[sflag:s8] =	ssyncset.s32 @!p0 $0xFFFFF086;
	s6 =	sadd.s32 @!p0 s3, s7;
	s7 =	simm.s32 @!p0 $0x108  }
0x21: {  	s3 =	sadd.s32 s3, s9;
	s6 =	sadd.s32 @!p0 $0x88, s6;
	s7 =	simm.s32 @p2 $0x1082  }
0x22: {  	[simem:s7], [sflag:s8] =	dma.local @!p0 [hbm:s6], $0xF7A  }
0x23: {  	s9 =	sor.u32 $0xD0000000, s2;
	s6 =	simm.s32 $0x108;
	_ =	swait.ge @!p0 [sflag:s8], $0x0  }
0x24: {  	s3 =	sadd.s32 $0x88, s3;
	s6 =	simm.s32 @!p1 $0x1082;
	[sflag:s4] =	ssyncset.s32 $0xFFFFF086  }
0x25: {  	[simem:s6], [sflag:s4] =	dma.local [hbm:s3], $0xF7A  }
0x26: {  	[smem:$0x3F9B] =	sst s1;
	(tag) =	ssettag s2;
	_ =	strace s9  }
0x27: {  	s1 =	sld [smem:$0x3FAB]  }
0x28: {  	s2 =	sld [smem:$0x3FAC]  }
0x29: {  	s4 =	sld [smem:$0x3FAE]  }
0x2a: {  	p0 =	seq.s32 s5, $0x0;
	s5 =	sld [smem:$0x3FAF]  }
0x2b: {  	s6 =	sld [smem:$0x3FB0]  }
0x2c: {  	s7 =	sld [smem:$0x3FB1]  }
0x2d: {  	s3 =	simm.s32 $0x108;
	s8 =	sld [smem:$0x3FB2]  }
0x2e: {  	s3 =	simm.s32 @!p0 $0x1082;
	s9 =	sld [smem:$0x3FB3]  }
0x2f: {  	lr =	sadd.s32 s0, s3;
	s0 =	sld [smem:$0x3FAA]  }
0x30: {  	s3 =	sld [smem:$0x3FAD]  }
0x31: {  	[smem:$0x3FB6] =	sst s10  }
0x32: {  	s10 =	sld [smem:$0x3FB4];
	_ =	sdelay $0x3  }
0x33: {  	p0 =	seq.s32 s10, $0x1;
	s10 =	sld [smem:$0x3FB6];
	_ =	sdelay $0x3  }
0x34: {  	[smem:$0x3FB6] =	sst s10  }
0x35: {  	s10 =	sld [smem:$0x3FB5];
	_ =	sdelay $0x3  }
0x36: {  	p1 =	seq.s32 s10, $0x1;
	s10 =	sld [smem:$0x3FB6];
	_ =	sdelay $0x3  }
0x37: {  	[smem:$0x3FB6] =	sst s10  }
0x38: {  	s10 =	sld [smem:$0x3FB7]  }
0x39: {  	_ = 	snop;
	(pc) =	sbr.ind lr, $3  }
0x3a: {  	_ = 	snop  }
0x3b: {  	_ = 	snop  }
0x3c: {  	p2 =	seq.s32 s10, $0x1;
	s10 =	sld [smem:$0x3FB6]  }
0x3d: {  	_ =	shalt  }
0x3e: {  	_ =	shalt  }
0x3f: {  	_ =	shalt  }
0x40: {  	_ =	shalt  }
0x41: {  	_ =	shalt  }
0x42: {  	_ =	shalt  }
0x43: {  	_ =	shalt  }
0x44: {  	_ =	shalt  }
0x45: {  	_ =	shalt  }
0x46: {  	_ =	shalt  }
0x47: {  	_ =	shalt  }
0x48: {  	_ =	shalt  }
0x49: {  	_ =	shalt  }
0x4a: {  	_ =	shalt  }
0x4b: {  	_ =	shalt  }
0x4c: {  	_ =	shalt  }
0x4d: {  	_ =	shalt  }
0x4e: {  	_ =	shalt  }
0x4f: {  	_ =	shalt  }
0x50: {  	_ =	shalt  }
0x51: {  	_ =	shalt  }
0x52: {  	_ =	shalt  }
0x53: {  	_ =	shalt  }
0x54: {  	_ =	shalt  }
0x55: {  	_ =	shalt  }
0x56: {  	_ =	shalt  }
0x57: {  	_ =	shalt  }
0x58: {  	_ =	shalt  }
0x59: {  	_ =	shalt  }
0x5a: {  	_ =	shalt  }
0x5b: {  	_ =	shalt  }
0x5c: {  	_ =	shalt  }
0x5d: {  	_ =	shalt  }
0x5e: {  	_ =	shalt  }
0x5f: {  	_ =	shalt  }
0x60: {  	_ =	shalt  }
0x61: {  	_ =	shalt  }
0x62: {  	_ =	shalt  }
0x63: {  	_ =	shalt  }
0x64: {  	_ =	shalt  }
0x65: {  	_ =	shalt  }
0x66: {  	_ =	shalt  }
0x67: {  	_ =	shalt  }
0x68: {  	_ =	shalt  }
0x69: {  	_ =	shalt  }
0x6a: {  	_ =	shalt  }
0x6b: {  	_ =	shalt  }
0x6c: {  	_ =	shalt  }
0x6d: {  	_ =	shalt  }
0x6e: {  	_ =	shalt  }
0x6f: {  	_ =	shalt  }
0x70: {  	_ =	shalt  }
0x71: {  	_ =	shalt  }
0x72: {  	_ =	shalt  }
0x73: {  	_ =	shalt  }
0x74: {  	_ =	shalt  }
0x75: {  	_ =	shalt  }
0x76: {  	_ =	shalt  }
0x77: {  	_ =	shalt  }
0x78: {  	_ =	shalt  }
0x79: {  	_ =	shalt  }
0x7a: {  	_ =	shalt  }
0x7b: {  	_ =	shalt  }
0x7c: {  	_ =	shalt  }
0x7d: {  	_ =	shalt  }
0x7e: {  	_ =	shalt  }
0x7f: {  	_ =	shalt  }
0x80: {  	_ =	shalt  }
0x81: {  	_ =	shalt  }
0x82: {  	_ =	shalt  }
0x83: {  	_ =	shalt  }
0x84: {  	_ =	shalt  }
0x85: {  	_ =	shalt  }
0x86: {  	_ =	shalt  }
0x87: {  	_ =	shalt  }
.Lfunc_end0:
.L_simem_size_0:
called_computation.3_lowered:
.L_overlay_start_0:
0x88: {  	s2 =	sld [smem:$0x3FD9]  }
0x89: {  	s3 =	sld [smem:$0x3FFE];
	_ =	sdelay $0x1  }
0x8a: {  	s1 =	srdreg.scid  }
0x8b: {  	s0 =	sand.u32 $0x1, s1  }
0x8c: {  	s14 =	sshll.u32 s0, $0xA;
	s2 =	sadd.s32 s3, s2  }
0x8d: {  	s2 =	sadd.s32 s2, s14  }
0x8e: {  	[smem:$0x3FC2] =	sst s2  }
0x8f: {  	_ = 	snop  }
0x90: {  	s2 =	sld [smem:$0x3FD0];
	_ =	sdelay $0x2  }
0x91: {  	s15 =	simm.s32 $0xB;
	s4 =	simm.s32 $0x10  }
0x92: {  	[smem:s4], [sflag:s15] =	dma.local [hbm:s2], $0x1  }
0x93: {  	_ =	swait.eq [sflag:s15], $0x1  }
0x94: {  	[sflag:s15] =	ssyncset.done $0x0  }
0x95: {  	[sflag:s15] =	ssyncadd.s32 $0xFFFFFFFF  }
0x96: {  	s16 =	sld [smem:$0x10];
	(tm) =	ssettm $0x1  }
0x97: {  	s17 =	sld [smem:$0x3FFB];
	_ =	sdelay $0x3  }
0x98: {  	_ =	strace s17  }
0x99: {  	s3 =	sld [smem:$0x3FFC];
	_ =	sdelay $0x3  }
0x9a: {  	_ =	strace s3  }
0x9b: {  	s3 =	sld [smem:$0x3FFD];
	_ =	sdelay $0x3  }
0x9c: {  	_ =	strace s3  }
0x9d: {  	_ =	strace $0x8FFFFFFF  }
0x9e: {  	s18 =	sld [smem:$0x3FDB];
	_ =	sdelay $0x1  }
0x9f: {  	s19 =	simm.s32 $_scs_section_size  }
0xa0: {  	s5 =	simm.s32 $_size__tile_overlayer_lowered;
	s6 =	simm.s32 $_tile_overlayer_lowered  }
0xa1: {  	s22 =	simm.s32 $0x1BFF;
	s21 =	sshll.u32 s6, $0x1;
	s3 =	sadd.s32 s19, s18  }
0xa2: {  	s7 =	simm.s32 $0x0;
	s20 =	sshll.u32 s5, $0x1;
	s5 =	sadd.s32 s21, s3  }
0xa3: {  	[timem:s7], [sflag:s22] =	dma.local [hbm:s5], s20  }
0xa4: {  	_ =	swait.ge [sflag:s22], s20  }
0xa5: {  	s4 =	ssub.s32 $0x0, s20;
	[sflag:s22] =	ssyncset.done $0x0  }
0xa6: {  	[sflag:s22] =	ssyncadd.s32 s4;
	_ =	sdelay $0x1  }
0xa7: {  	s23 =	simm.s32 $0x1B8B  }
0xa8: {  	_ =	swait.ge [sflag:s23], $0x1  }
0xa9: {  	[sflag:s23] =	ssyncset.done $0x0  }
0xaa: {  	s25 =	simm.s32 $0x1B8E;
	s24 =	sld [smem:$0x3FFE];
	[sflag:s23] =	ssyncadd.s32 $0xFFFFFFFF  }
0xab: {  	s26 =	simm.s32 $execute0_lowered;
	[smem:$0x3FD2] =	sst s25  }
0xac: {  	s5 =	sshll.u32 s26, $0x1;
	_ =	strace $0x8000004F;
	[dreg:$0x1] =	wrdreg $0xFFFFFFFF  }
0xad: {  	s28 =	simm.s32 $_size_execute0_lowered;
	s3 =	sadd.s32 s3, s5;
	[dreg:$0x0] =	wrdreg $0x0  }
0xae: {  	s5 =	sshll.u32 s28, $0x1;
	[dreg:$0x2] =	wrdreg s3  }
0xaf: {  	[dreg:$0x3] =	wrdreg s5  }
0xb0: {  	[dreg:$0x4] =	wrdreg $0xC0  }
0xb1: {  	_ =	task [dreg:s7], $0x5FFFF  }
0xb2: {  	[dreg:$0x1] =	wrdreg $0xFFFFFFFF  }
0xb3: {  	[dreg:$0x0] =	wrdreg $0x60  }
0xb4: {  	[dreg:$0x2] =	wrdreg s24  }
0xb5: {  	[dreg:$0x3] =	wrdreg s16  }
0xb6: {  	[dreg:$0x4] =	wrdreg $0x9  }
0xb7: {  	_ =	task.clear_ibuf [dreg:s7], $0x5FFFF;
	_ =	strace $0x9000004F  }
0xb8: {  	s29 =	simm.s32 $0x9;
	_ =	strace $0x80000051  }
0xb9: {  	_ =	swait.ge [sflag:s29], $0x1  }
0xba: {  	[sflag:s29] =	ssyncadd.s32 $0xFFFFFFFF  }
0xbb: {  	_ =	strace $0x90000051  }
0xbc: {  	_ =	sfence  }
0xbd: {  	s30 =	sld [smem:$0x0];
	_ =	sdelay $0x2  }
0xbe: {  	s31 =	sshll.u32 s1, $0xD;
	s1 =	sshrl.u32 s1, $0x2  }
0xbf: {  	s3 =	sand.u32 $0x4000, s31;
	s1 =	sadd.s32 s1, s30  }
0xc0: {  	s0 =	sor.u32 s3, s0;
	s1 =	sshll.u32 s1, $0x11  }
0xc1: {  	s0 =	sor.u32 s1, s0  }
0xc2: {  	s0 =	sadd.s32 $0x8F2B, s0  }
0xc3: {  	[sflag:s0] =	ssyncadd.remote.s32 $0x1  }
0xc4: {  	_ =	sfence.sel $0xFFFF  }
0xc5: {  	[dreg:$0x0] =	wrdreg $0xFFFFFFFF;
	(pc) =	sbr.abs _section_cstart, $3  }
0xc6: {  	[dreg:$0x1] =	wrdreg $0xFFFFFFFF  }
0xc7: {  	_ =	task.clear_ibuf [dreg:s7], $0x2FFFF;
	_ =	strace $0x9FFFFFFF  }
0xc8: {  	(tm) =	ssettm $0x7FFFFFFF  }
0xc9: {  	_ =	shalt  }
tec
execute0_lowered:
.L_overlay_start_1:
0x0: {  	(tag) =	ssettag $0x1  }
0x1: {  	s0 =	rddreg [dreg:$0x0]  }
0x2: {  	s1 =	rddreg [dreg:$0x1];
	s2 =	simm.s32 $0x0  }
0x3: {  	s4 =	srdreg.scid;
	s3 =	stileid.u32;
	s11 =	simm.s32 $0x4  }
0x4: {  	s12 =	simm.s32 $0x80;
	s13 =	simm.s32 $0x100;
	s14 =	simm.s32 $0x1  }
0x5: {  	s15 =	simm.s32 $0x900;
	s16 =	simm.s32 $0x1100;
	s17 =	simm.s32 $0x1900  }
0x6: {  	s18 =	simm.s32 $0x2100;
	s19 =	simm.s32 $0x2900;
	s20 =	simm.s32 $0x3100  }
0x7: {  	s21 =	simm.s32 $0x3900;
	s22 =	simm.s32 $0x4100;
	s28 =	simm.s32 $0x6900  }
0x8: {  	s29 =	simm.s32 $0x7100;
	s30 =	simm.s32 $0x7900;
	s31 =	simm.s32 $0x2  }
0x9: {  	[smem:$0x7FF] =	sst s2;
	s9 =	sadd.s32 $0x23600, s0;
	s4 =	sand.u32 $0x1, s4  }
0xa: {  	s6 =	sshll.u32 s3, $0x6;
	s0 =	sadd.s32 $0x43800, s0;
	s5 =	ssub.s32 $0x2, s4  }
0xb: {  	_ =	strace $0x80000050;
	s4 =	sshll.u32 s4, $0x5;
	s7 =	sshrl.u32 s5, $0x1  }
0xc: {  	s4 =	sor.u32 s4, s6;
	s6 =	sadd.s32 $0x100, s1;
	s10 =	ssub.s32 s5, s7  }
0xd: {  	s23 =	sshrl.u32 s4, $0x3;
	s8 =	sor.u32 $0x10, s4;
	s25 =	sshll.u32 s4, $0x7  }
0xe: {  	s7 =	sadd.s32 $0x200, s1;
	s5 =	sadd.s32 s0, s23;
	s24 =	sshrl.u32 s8, $0x3  }
0xf: {  	s26 =	sshll.u32 s8, $0x7;
	s8 =	sadd.s32 $0x300, s1;
	s10 =	smax.u32 s10, $0x1  }
0x10: {  	v2 =	vlaneseq.u32;
	s23 =	simm.s32 $0x4900;
	[dreg:$0x3] =	wrdreg s5;
	s4 =	sadd.s32 s0, s24  }
0x11: {  	vm0 =	vmmov $0xffff;
	v1 =	vshrl.u32 v2, $0x3;
	s5 =	sadd.s32 s9, s25;
	s9 =	sadd.s32 s9, s26;
	s24 =	simm.s32 $0x5100  }
0x12: {  	v0 =	vand.u32 $0x7, v2;
	v2 =	vor.u32 $0x8, v2;
	v1 =	vmul.u32 $0x8, v1;
	s25 =	simm.s32 $0x5900;
	s26 =	simm.s32 $0x6100;
	s0 =	simm.s32 $0x3  }
.LBB2_1:
0x13: {  	s3 =	rddreg [dreg:$0x3]  }
0x14: {  	[tilespmem:s2], [sflag:$0x4] =	stream.linear.gather [hbm4b:s3+s2], $0x10, $0x38;
	[tilespmem:$0x8100] =	vst v63  }
0x15: {  	_ =	swait.ge [sflag:s11], $0x10  }
0x16: {  	[sflag:s11] =	ssyncset.done $0x0  }
0x17: {  	[sflag:s11] =	ssyncadd.s32 $0xFFFFFFF0  }
0x18: {  	[tilespmem:s12], [sflag:$0x4] =	stream.linear.gather [hbm4b:s4+s2], $0x10, $0x38;
	[tilespmem:$0x8100] =	vst v63  }
0x19: {  	_ =	swait.ge [sflag:s11], $0x10  }
0x1a: {  	[sflag:s11] =	ssyncset.done $0x0  }
0x1b: {  	[sflag:s11] =	ssyncadd.s32 $0xFFFFFFF0  }
0x1c: {  	[tilespmem:s13], [sflag:$0x1] =	stream.linear.gather [hbm4b:s5+s2], $0x4000, $0x38;
	[tilespmem:$0x8100] =	vst v63  }
0x1d: {  	_ =	swait.ge [sflag:s14], $0x4000  }
0x1e: {  	[sflag:s14] =	ssyncset.done $0x0  }
0x1f: {  	[sflag:s14] =	ssyncadd.s32 $0xFFFFC000  }
0x20: {  	v3 =	vld [tilespmem:$0x0];
	_ =	sdelay $0x4  }
0x21: {  	v4 =	vshll.u32 v3, $0x3  }
0x22: {  	v3 =	vand.u32 $0x7, v3;
	v4 =	vand.u32 $0xFFFFFFC0, v4  }
0x23: {  	v3 =	vor.u32 v3, v4  }
0x24: {  	v4 =	vperm.xlane v3, v0;
	_ =	sdelay $0x1  }
0x25: {  	v4 =	vadd.s32 v1, v4;
	_ =	sdelay $0x4  }
0x26: {  	[hbm4b:s1+s2] =	stream.indirect_vreg.scatter [tilespmem:s13], [sflag:$0x2], $0x80, v4, vm0, $0xb8;
	[tilespmem:$0x8100] =	vst v63  }
0x27: {  	v3 =	vperm.xlane v3, v2  }
0x28: {  	[hbm4b:s6+s2] =	stream.indirect_vreg.scatter [tilespmem:s15], [sflag:$0x2], $0x80, v4, vm0, $0xb8;
	[tilespmem:$0x8100] =	vst v63  }
0x29: {  	v3 =	vadd.s32 v1, v3  }
0x2a: {  	[hbm4b:s7+s2] =	stream.indirect_vreg.scatter [tilespmem:s16], [sflag:$0x2], $0x80, v4, vm0, $0xb8;
	[tilespmem:$0x8100] =	vst v63  }
0x2b: {  	_ = 	snop  }
0x2c: {  	[hbm4b:s8+s2] =	stream.indirect_vreg.scatter [tilespmem:s17], [sflag:$0x2], $0x80, v4, vm0, $0xb8;
	[tilespmem:$0x8100] =	vst v63  }
0x2d: {  	_ = 	snop  }
0x2e: {  	[hbm4b:s1+s2] =	stream.indirect_vreg.scatter [tilespmem:s18], [sflag:$0x2], $0x80, v3, vm0, $0xb8;
	[tilespmem:$0x8100] =	vst v63  }
0x2f: {  	_ = 	snop  }
0x30: {  	[hbm4b:s6+s2] =	stream.indirect_vreg.scatter [tilespmem:s19], [sflag:$0x2], $0x80, v3, vm0, $0xb8;
	[tilespmem:$0x8100] =	vst v63  }
0x31: {  	_ = 	snop  }
0x32: {  	[hbm4b:s7+s2] =	stream.indirect_vreg.scatter [tilespmem:s20], [sflag:$0x2], $0x80, v3, vm0, $0xb8;
	[tilespmem:$0x8100] =	vst v63  }
0x33: {  	_ = 	snop  }
0x34: {  	[hbm4b:s8+s2] =	stream.indirect_vreg.scatter [tilespmem:s21], [sflag:$0x2], $0x80, v3, vm0, $0xb8;
	[tilespmem:$0x8100] =	vst v63  }
0x35: {  	_ = 	snop  }
0x36: {  	[tilespmem:s22], [sflag:$0x1] =	stream.linear.gather [hbm4b:s9+s2], $0x4000, $0x38;
	[tilespmem:$0x8100] =	vst v63  }
0x37: {  	_ =	swait.ge [sflag:s14], $0x4000  }
0x38: {  	[sflag:s14] =	ssyncset.done $0x0  }
0x39: {  	[sflag:s14] =	ssyncadd.s32 $0xFFFFC000  }
0x3a: {  	v3 =	vld [tilespmem:$0x80];
	_ =	sdelay $0x4  }
0x3b: {  	v63 =	vshll.u32 v3, $0x3  }
0x3c: {  	v3 =	vand.u32 $0x7, v3;
	v4 =	vand.u32 $0xFFFFFFC0, v63  }
0x3d: {  	v3 =	vor.u32 v3, v4  }
0x3e: {  	v4 =	vperm.xlane v3, v0;
	_ =	sdelay $0x1  }
0x3f: {  	v4 =	vadd.s32 v1, v4;
	_ =	sdelay $0x4  }
0x40: {  	[hbm4b:s1+s2] =	stream.indirect_vreg.scatter [tilespmem:s22], [sflag:$0x3], $0x80, v4, vm0, $0xb8;
	[tilespmem:$0x8100] =	vst v63  }
0x41: {  	v3 =	vperm.xlane v3, v2  }
0x42: {  	[hbm4b:s6+s2] =	stream.indirect_vreg.scatter [tilespmem:s23], [sflag:$0x3], $0x80, v4, vm0, $0xb8;
	[tilespmem:$0x8100] =	vst v63  }
0x43: {  	v3 =	vadd.s32 v1, v3  }
0x44: {  	[hbm4b:s7+s2] =	stream.indirect_vreg.scatter [tilespmem:s24], [sflag:$0x3], $0x80, v4, vm0, $0xb8;
	[tilespmem:$0x8100] =	vst v63  }
0x45: {  	_ = 	snop  }
0x46: {  	[hbm4b:s8+s2] =	stream.indirect_vreg.scatter [tilespmem:s25], [sflag:$0x3], $0x80, v4, vm0, $0xb8;
	[tilespmem:$0x8100] =	vst v63  }
0x47: {  	_ = 	snop  }
0x48: {  	[hbm4b:s1+s2] =	stream.indirect_vreg.scatter [tilespmem:s26], [sflag:$0x3], $0x80, v3, vm0, $0xb8;
	[tilespmem:$0x8100] =	vst v63  }
0x49: {  	_ = 	snop  }
0x4a: {  	[hbm4b:s6+s2] =	stream.indirect_vreg.scatter [tilespmem:s28], [sflag:$0x3], $0x80, v3, vm0, $0xb8;
	[tilespmem:$0x8100] =	vst v63  }
0x4b: {  	_ = 	snop  }
0x4c: {  	[hbm4b:s7+s2] =	stream.indirect_vreg.scatter [tilespmem:s29], [sflag:$0x3], $0x80, v3, vm0, $0xb8;
	[tilespmem:$0x8100] =	vst v63  }
0x4d: {  	_ = 	snop  }
0x4e: {  	[hbm4b:s8+s2] =	stream.indirect_vreg.scatter [tilespmem:s30], [sflag:$0x3], $0x80, v3, vm0, $0xb8;
	[tilespmem:$0x8100] =	vst v63  }
0x4f: {  	p0 =	sne.s32 s10, $0x1;
	_ =	swait.ge [sflag:s31], $0x4000  }
.Ltmp0:
0x50: {  	[sflag:s31] =	ssyncset.done $0x0;
	(pc) =	sbr.rel @p0 .LBB2_1-.Ltmp0, $4  }
0x51: {  	[sflag:s31] =	ssyncadd.s32 $0xFFFFC000  }
0x52: {  	_ =	swait.ge [sflag:s0], $0x4000  }
0x53: {  	[sflag:s0] =	ssyncset.done $0x0  }
0x54: {  	s10 =	sadd.s32 $0xFFFFFFFF, s10;
	[sflag:s0] =	ssyncadd.s32 $0xFFFFC000  }
0x55: {  	_ =	sfence.sel $0x180000  }
0x56: {  	[bflag:$0x0] =	sbarrier.arrive $0xFFFF  }
0x57: {  	_ =	strace $0x90000050  }
0x58: {  	s0 =	stileid.u32;
	[bflag:$0x2] =	sbarrier.arrive $0xFFFF  }
0x59: {  	p0 =	sne.s32 s0, $0x0;
	s0 =	rddreg [dreg:$0x2]  }
0x5a: {  	s0 =	sadd.s32 @!p0 $0x100000, s0  }
0x5b: {  	[sflag:s0] =	ssyncadd.tile.s32 @!p0 $0x1;
	_ =	shalt  }
.Lfunc_end2:
_tile_overlayer_lowered:
.L_overlay_start_2:
0x5c: {  	(tag) =	ssettag $0x2  }
0x5d: {  	s0 =	rddreg [dreg:$0x0];
	s2 =	stileid.u32  }
0x5e: {  	s1 =	rddreg [dreg:$0x1];
	p0 =	sne.s32 s2, $0x0  }
0x5f: {  	s3 =	rddreg [dreg:$0x2];
	[bflag:$0x3] =	sbarrier.arrive $0xFFFF;
	s2 =	simm.s32 @!p0 $0x1C04  }
0x60: {  	[timem:s3], [sflag:s2] =	dma.local @!p0 [hbm:s0], s1  }
0x61: {  	s0 =	simm.s32 @!p0 $0x4  }
0x62: {  	_ =	swait.ge @!p0 [sflag:s0], s1  }
0x63: {  	s1 =	ssub.s32 @!p0 $0x0, s1;
	[sflag:s0] =	ssyncset.done @!p0 $0x0  }
0x64: {  	[sflag:s0] =	ssyncadd.s32 @!p0 s1  }
0x65: {  	[bflag:$0x3] =	sbarrier.arrive $0xFFFF  }
0x66: {  	_ =	shalt  }

// kernel: dispatch0.3.cloned.1.call-start
scs
__scs_entry_jumppad:
0x0: {  	(pc) =	sbr.rel $0x88, $3  }
0x1: {  	(tag) =	ssettag $0x0;
	lr =	simm.s32 $0x1  }
0x2: {  	[smem:$0x3F9B] =	sst lr;
	_ =	strace $0xD0000000  }
0x3: {  	_ = 	snop  }
0x4: {  	_ = 	snop  }
0x5: {  	_ = 	snop  }
0x6: {  	_ = 	snop  }
0x7: {  	_ = 	snop  }
__scs_overlays_trampoline_lowered:
0x8: {  	[smem:$0x3FAA] =	sst s0  }
0x9: {  	[smem:$0x3FAB] =	sst s1  }
0xa: {  	[smem:$0x3FAC] =	sst s2  }
0xb: {  	[smem:$0x3FAD] =	sst s3  }
0xc: {  	[smem:$0x3FAE] =	sst s4  }
0xd: {  	[smem:$0x3FAF] =	sst s5  }
0xe: {  	[smem:$0x3FB0] =	sst s6  }
0xf: {  	[smem:$0x3FB1] =	sst s7  }
0x10: {  	[smem:$0x3FB2] =	sst s8  }
0x11: {  	[smem:$0x3FB3] =	sst s9;
	s0 =	simm.s32 @!p0 $0x0  }
0x12: {  	s1 =	sld [smem:$0x3F99];
	s0 =	simm.s32 @p0 $0x1  }
0x13: {  	[smem:$0x3FB4] =	sst s0;
	s0 =	simm.s32 @!p1 $0x0  }
0x14: {  	s2 =	sld [smem:$0x3F98];
	s0 =	simm.s32 @p1 $0x1  }
0x15: {  	[smem:$0x3FB5] =	sst s0;
	s0 =	simm.s32 @!p2 $0x0  }
0x16: {  	s3 =	sld [smem:$0x3FDB];
	s0 =	simm.s32 @p2 $0x1  }
0x17: {  	s4 =	simm.s32 $0x1BF5;
	[smem:$0x3FB7] =	sst s0  }
0x18: {  	s0 =	sld [smem:$0x3F9A];
	_ =	swait.ge [sflag:s4], $0x0  }
0x19: {  	s7 =	sld [smem:$0x3F9B]  }
0x1a: {  	s8 =	sadd.s32 $0xFFFFE003, lr  }
0x1b: {  	s9 =	sadd.s32 $0xFFFFFEF7, lr;
	s5 =	simm.s32 $0xFFFFFFFF;
	p2 =	slt.u32 s8, $0xFFFFF086  }
0x1c: {  	p1 =	slt.u32 s9, $0xF7A;
	s5 =	simm.s32 @!p2 $0x0  }
0x1d: {  	s5 =	simm.s32 @p1 $0x1;
	p0 =	seq.s32 s7, s2  }
0x1e: {  	s7 =	smul.u32 @!p0 $0xF7A, s2;
	p2 =	seq.s32 @!p0 s5, $0x0  }
0x1f: {  	s9 =	smul.u32 $0xF7A, s1;
	s8 =	simm.s32 @!p0 $0x1BF5;
	p2 =	por !p2, p0  }
0x20: {  	[sflag:s8] =	ssyncset.s32 @!p0 $0xFFFFF086;
	s6 =	sadd.s32 @!p0 s3, s7;
	s7 =	simm.s32 @!p0 $0x108  }
0x21: {  	s3 =	sadd.s32 s3, s9;
	s6 =	sadd.s32 @!p0 $0x88, s6;
	s7 =	simm.s32 @p2 $0x1082  }
0x22: {  	[simem:s7], [sflag:s8] =	dma.local @!p0 [hbm:s6], $0xF7A  }
0x23: {  	s9 =	sor.u32 $0xD0000000, s2;
	s6 =	simm.s32 $0x108;
	_ =	swait.ge @!p0 [sflag:s8], $0x0  }
0x24: {  	s3 =	sadd.s32 $0x88, s3;
	s6 =	simm.s32 @!p1 $0x1082;
	[sflag:s4] =	ssyncset.s32 $0xFFFFF086  }
0x25: {  	[simem:s6], [sflag:s4] =	dma.local [hbm:s3], $0xF7A  }
0x26: {  	[smem:$0x3F9B] =	sst s1;
	(tag) =	ssettag s2;
	_ =	strace s9  }
0x27: {  	s1 =	sld [smem:$0x3FAB]  }
0x28: {  	s2 =	sld [smem:$0x3FAC]  }
0x29: {  	s4 =	sld [smem:$0x3FAE]  }
0x2a: {  	p0 =	seq.s32 s5, $0x0;
	s5 =	sld [smem:$0x3FAF]  }
0x2b: {  	s6 =	sld [smem:$0x3FB0]  }
0x2c: {  	s7 =	sld [smem:$0x3FB1]  }
0x2d: {  	s3 =	simm.s32 $0x108;
	s8 =	sld [smem:$0x3FB2]  }
0x2e: {  	s3 =	simm.s32 @!p0 $0x1082;
	s9 =	sld [smem:$0x3FB3]  }
0x2f: {  	lr =	sadd.s32 s0, s3;
	s0 =	sld [smem:$0x3FAA]  }
0x30: {  	s3 =	sld [smem:$0x3FAD]  }
0x31: {  	[smem:$0x3FB6] =	sst s10  }
0x32: {  	s10 =	sld [smem:$0x3FB4];
	_ =	sdelay $0x3  }
0x33: {  	p0 =	seq.s32 s10, $0x1;
	s10 =	sld [smem:$0x3FB6];
	_ =	sdelay $0x3  }
0x34: {  	[smem:$0x3FB6] =	sst s10  }
0x35: {  	s10 =	sld [smem:$0x3FB5];
	_ =	sdelay $0x3  }
0x36: {  	p1 =	seq.s32 s10, $0x1;
	s10 =	sld [smem:$0x3FB6];
	_ =	sdelay $0x3  }
0x37: {  	[smem:$0x3FB6] =	sst s10  }
0x38: {  	s10 =	sld [smem:$0x3FB7]  }
0x39: {  	_ = 	snop;
	(pc) =	sbr.ind lr, $3  }
0x3a: {  	_ = 	snop  }
0x3b: {  	_ = 	snop  }
0x3c: {  	p2 =	seq.s32 s10, $0x1;
	s10 =	sld [smem:$0x3FB6]  }
0x3d: {  	_ =	shalt  }
0x3e: {  	_ =	shalt  }
0x3f: {  	_ =	shalt  }
0x40: {  	_ =	shalt  }
0x41: {  	_ =	shalt  }
0x42: {  	_ =	shalt  }
0x43: {  	_ =	shalt  }
0x44: {  	_ =	shalt  }
0x45: {  	_ =	shalt  }
0x46: {  	_ =	shalt  }
0x47: {  	_ =	shalt  }
0x48: {  	_ =	shalt  }
0x49: {  	_ =	shalt  }
0x4a: {  	_ =	shalt  }
0x4b: {  	_ =	shalt  }
0x4c: {  	_ =	shalt  }
0x4d: {  	_ =	shalt  }
0x4e: {  	_ =	shalt  }
0x4f: {  	_ =	shalt  }
0x50: {  	_ =	shalt  }
0x51: {  	_ =	shalt  }
0x52: {  	_ =	shalt  }
0x53: {  	_ =	shalt  }
0x54: {  	_ =	shalt  }
0x55: {  	_ =	shalt  }
0x56: {  	_ =	shalt  }
0x57: {  	_ =	shalt  }
0x58: {  	_ =	shalt  }
0x59: {  	_ =	shalt  }
0x5a: {  	_ =	shalt  }
0x5b: {  	_ =	shalt  }
0x5c: {  	_ =	shalt  }
0x5d: {  	_ =	shalt  }
0x5e: {  	_ =	shalt  }
0x5f: {  	_ =	shalt  }
0x60: {  	_ =	shalt  }
0x61: {  	_ =	shalt  }
0x62: {  	_ =	shalt  }
0x63: {  	_ =	shalt  }
0x64: {  	_ =	shalt  }
0x65: {  	_ =	shalt  }
0x66: {  	_ =	shalt  }
0x67: {  	_ =	shalt  }
0x68: {  	_ =	shalt  }
0x69: {  	_ =	shalt  }
0x6a: {  	_ =	shalt  }
0x6b: {  	_ =	shalt  }
0x6c: {  	_ =	shalt  }
0x6d: {  	_ =	shalt  }
0x6e: {  	_ =	shalt  }
0x6f: {  	_ =	shalt  }
0x70: {  	_ =	shalt  }
0x71: {  	_ =	shalt  }
0x72: {  	_ =	shalt  }
0x73: {  	_ =	shalt  }
0x74: {  	_ =	shalt  }
0x75: {  	_ =	shalt  }
0x76: {  	_ =	shalt  }
0x77: {  	_ =	shalt  }
0x78: {  	_ =	shalt  }
0x79: {  	_ =	shalt  }
0x7a: {  	_ =	shalt  }
0x7b: {  	_ =	shalt  }
0x7c: {  	_ =	shalt  }
0x7d: {  	_ =	shalt  }
0x7e: {  	_ =	shalt  }
0x7f: {  	_ =	shalt  }
0x80: {  	_ =	shalt  }
0x81: {  	_ =	shalt  }
0x82: {  	_ =	shalt  }
0x83: {  	_ =	shalt  }
0x84: {  	_ =	shalt  }
0x85: {  	_ =	shalt  }
0x86: {  	_ =	shalt  }
0x87: {  	_ =	shalt  }
.Lfunc_end0:
.L_simem_size_0:
called_computation_lowered:
.L_overlay_start_0:
0x88: {  	s2 =	sld [smem:$0x3FD9]  }
0x89: {  	s3 =	sld [smem:$0x3FFE];
	_ =	sdelay $0x1  }
0x8a: {  	s1 =	srdreg.scid  }
0x8b: {  	s0 =	sand.u32 $0x1, s1  }
0x8c: {  	s17 =	sshll.u32 s0, $0xA;
	s2 =	sadd.s32 s3, s2  }
0x8d: {  	s2 =	sadd.s32 s2, s17  }
0x8e: {  	[smem:$0x3FC2] =	sst s2  }
0x8f: {  	_ = 	snop  }
0x90: {  	s2 =	sld [smem:$0x3FC9];
	(tm) =	ssettm $0x1  }
0x91: {  	s18 =	sld [smem:$0x3FFB];
	_ =	sdelay $0x3  }
0x92: {  	_ =	strace s18  }
0x93: {  	s3 =	sld [smem:$0x3FFC];
	_ =	sdelay $0x3  }
0x94: {  	_ =	strace s3  }
0x95: {  	s3 =	sld [smem:$0x3FFD];
	_ =	sdelay $0x3  }
0x96: {  	_ =	strace s3  }
0x97: {  	_ =	strace $0x8FFFFFFF  }
0x98: {  	s19 =	sld [smem:$0x3FDB];
	_ =	sdelay $0x1  }
0x99: {  	s4 =	simm.s32 $_scs_section_size  }
0x9a: {  	s5 =	simm.s32 $_size__tile_overlayer_lowered;
	s6 =	simm.s32 $_tile_overlayer_lowered  }
0x9b: {  	s22 =	simm.s32 $0x1BFF;
	s21 =	sshll.u32 s6, $0x1;
	s3 =	sadd.s32 s4, s19  }
0x9c: {  	s7 =	simm.s32 $0x0;
	s20 =	sshll.u32 s5, $0x1;
	s5 =	sadd.s32 s21, s3  }
0x9d: {  	[timem:s7], [sflag:s22] =	dma.local [hbm:s5], s20  }
0x9e: {  	_ =	swait.ge [sflag:s22], s20  }
0x9f: {  	s4 =	ssub.s32 $0x0, s20;
	[sflag:s22] =	ssyncset.done $0x0  }
0xa0: {  	[sflag:s22] =	ssyncadd.s32 s4;
	_ =	sdelay $0x1  }
0xa1: {  	s23 =	simm.s32 $0x1B8B  }
0xa2: {  	_ =	swait.ge [sflag:s23], $0x1  }
0xa3: {  	[sflag:s23] =	ssyncset.done $0x0  }
0xa4: {  	s25 =	simm.s32 $0x1B8E;
	s24 =	sld [smem:$0x3FFE];
	[sflag:s23] =	ssyncadd.s32 $0xFFFFFFFF  }
0xa5: {  	s26 =	simm.s32 $execute0_lowered;
	[smem:$0x3FD2] =	sst s25  }
0xa6: {  	s5 =	sshll.u32 s26, $0x1;
	_ =	strace $0x80000046;
	[dreg:$0x1] =	wrdreg $0xFFFFFFFF  }
0xa7: {  	s28 =	simm.s32 $_size_execute0_lowered;
	s3 =	sadd.s32 s3, s5;
	[dreg:$0x0] =	wrdreg $0x0  }
0xa8: {  	s5 =	sshll.u32 s28, $0x1;
	[dreg:$0x2] =	wrdreg s3  }
0xa9: {  	[dreg:$0x3] =	wrdreg s5  }
0xaa: {  	[dreg:$0x4] =	wrdreg $0xC0  }
0xab: {  	_ =	task [dreg:s7], $0x5FFFF  }
0xac: {  	[dreg:$0x1] =	wrdreg $0xFFFFFFFF  }
0xad: {  	[dreg:$0x0] =	wrdreg $0x60  }
0xae: {  	[dreg:$0x2] =	wrdreg s2  }
0xaf: {  	[dreg:$0x3] =	wrdreg s24  }
0xb0: {  	[dreg:$0x4] =	wrdreg $0x9  }
0xb1: {  	_ =	task.clear_ibuf [dreg:s7], $0x5FFFF;
	_ =	strace $0x90000046  }
0xb2: {  	s29 =	simm.s32 $0x9;
	_ =	strace $0x80000048  }
0xb3: {  	_ =	swait.ge [sflag:s29], $0x1  }
0xb4: {  	[sflag:s29] =	ssyncadd.s32 $0xFFFFFFFF  }
0xb5: {  	_ =	strace $0x90000048  }
0xb6: {  	_ =	sfence  }
0xb7: {  	s30 =	sld [smem:$0x0];
	_ =	sdelay $0x2  }
0xb8: {  	s31 =	sshll.u32 s1, $0xD;
	s1 =	sshrl.u32 s1, $0x2  }
0xb9: {  	s3 =	sand.u32 $0x4000, s31;
	s1 =	sadd.s32 s1, s30  }
0xba: {  	s0 =	sor.u32 s3, s0;
	s1 =	sshll.u32 s1, $0x11  }
0xbb: {  	s0 =	sor.u32 s1, s0  }
0xbc: {  	s0 =	sadd.s32 $0x8F2B, s0  }
0xbd: {  	[sflag:s0] =	ssyncadd.remote.s32 $0x1  }
0xbe: {  	_ =	sfence.sel $0xFFFF  }
0xbf: {  	[dreg:$0x0] =	wrdreg $0xFFFFFFFF;
	(pc) =	sbr.abs _section_cstart, $3  }
0xc0: {  	[dreg:$0x1] =	wrdreg $0xFFFFFFFF  }
0xc1: {  	_ =	task.clear_ibuf [dreg:s7], $0x2FFFF;
	_ =	strace $0x9FFFFFFF  }
0xc2: {  	(tm) =	ssettm $0x7FFFFFFF  }
0xc3: {  	_ =	shalt  }
tec
execute0_lowered:
.L_overlay_start_1:
0x0: {  	(tag) =	ssettag $0x1  }
0x1: {  	s1 =	rddreg [dreg:$0x0]  }
0x2: {  	s0 =	rddreg [dreg:$0x1]  }
0x3: {  	s2 =	srdreg.scid;
	s3 =	simm.s32 $0x0;
	s7 =	stileid.u32  }
0x4: {  	s14 =	simm.s32 $0x4;
	s15 =	simm.s32 $0x1080;
	s16 =	simm.s32 $0x800  }
0x5: {  	s17 =	simm.s32 $0x880;
	s20 =	simm.s32 $0x1300;
	s29 =	simm.s32 $0x1  }
0x6: {  	s30 =	simm.s32 $0x5300;
	s22 =	simm.s32 $0x8B00;
	s23 =	simm.s32 $0x2  }
0x7: {  	s24 =	simm.s32 $0x3;
	s25 =	simm.s32 $0x0;
	s2 =	sand.u32 $0x1, s2  }
0x8: {  	[smem:$0x7FF] =	sst s3;
	s5 =	sshll.u32 s7, $0x6;
	s4 =	sadd.s32 $0x2E00, s0  }
0x9: {  	s12 =	sadd.s32 $0x3400, s0;
	s19 =	sshrl.u32 s7, $0x1;
	s8 =	sadd.s32 $0x100, s1  }
0xa: {  	s9 =	sadd.s32 $0x200, s1;
	s10 =	sadd.s32 $0x300, s1;
	s6 =	sshll.u32 s2, $0x5  }
0xb: {  	_ =	strace $0x80000047;
	s2 =	ssub.s32 $0x2, s2;
	v4 =	vmov s19;
	s19 =	simm.s32 $0x7B00  }
0xc: {  	s18 =	sor.u32 s6, s5;
	s5 =	sadd.s32 $0x3000, s0;
	s28 =	sshrl.u32 s2, $0x1  }
0xd: {  	v0 =	vlaneseq.u32;
	s6 =	sshrl.u32 s18, $0x3;
	s2 =	ssub.s32 s2, s28;
	s21 =	sor.u32 $0x10, s18  }
0xe: {  	s31 =	sshll.u32 s18, $0x7;
	v1 =	vmov s18;
	v2 =	vor.u32 s18, v0;
	s18 =	simm.s32 $0x7300;
	s0 =	sadd.s32 s6, s0  }
0xf: {  	v7 =	vimm.s32 $0x0;
	vm0 =	vmmov $0xffff;
	s13 =	sshll.u32 s21, $0x7;
	s11 =	sadd.s32 s12, s31;
	v3 =	vor.u32 s21, v0;
	s21 =	simm.s32 $0x8300  }
0x10: {  	v9 =	vshrl.u32 v0, $0x3;
	v8 =	vand.u32 $0x7, v0;
	v10 =	vor.u32 $0x8, v0;
	s6 =	sadd.s32 $0x3200, s0;
	s7 =	sadd.s32 $0x23400, s0;
	s12 =	sadd.s32 s12, s13  }
0x11: {  	v9 =	vmul.u32 $0x8, v9;
	v5 =	vand.u32 $0x6F, v2;
	s13 =	smax.u32 s2, $0x1;
	v6 =	vand.u32 $0x7F, v3;
	s0 =	simm.s32 $0x6300;
	s2 =	simm.s32 $0x6B00  }
.LBB2_1:
0x12: {  	[tilespmem:s3], [sflag:$0x4] =	stream.linear.gather [hbm4b:s4+s3], $0x800, $0x38;
	[tilespmem:$0x9300] =	vst v63  }
0x13: {  	_ =	swait.ge [sflag:s14], $0x800  }
0x14: {  	[sflag:s14] =	ssyncset.done $0x0  }
0x15: {  	[sflag:s14] =	ssyncadd.s32 $0xFFFFF800  }
0x16: {  	[tilespmem:s15], [sflag:$0x4] =	stream.linear.gather [hbm4b:s5+s3], $0x80, $0x38;
	[tilespmem:$0x9300] =	vst v63  }
0x17: {  	_ =	swait.ge [sflag:s14], $0x80  }
0x18: {  	[sflag:s14] =	ssyncset.done $0x0  }
0x19: {  	[sflag:s14] =	ssyncadd.s32 $0xFFFFFF80  }
0x1a: {  	[tilespmem:$0x800] =	vst v7  }
0x1b: {  	[tilespmem:$0x810] =	vst v7  }
0x1c: {  	v11 =	vld [tilespmem:s3+$0x0]  }
0x1d: {  	s28 =	simm.s32 $0x10;
	s26 =	simm.s32 $0x0;
	s31 =	simm.s32 $0x0  }
.LBB2_2:
0x1e: {  	p0 =	sne.s32 s28, $0x7F0;
	_ =	sdelay $0x2  }
0x1f: {  	v12 =	vand.u32 $0xFFF, v11;
	v13 =	vshrl.u32 v11, $0xC  }
0x20: {  	v14 =	vsub.s32 v12, v1;
	vm1 =	veq.s32 v12, $0xFFF  }
0x21: {  	vm2 =	vlt.u32 v14, $0x20  }
0x22: {  	v12 =	vand.u32 $0x1F, v11  }
0x23: {  	v13 =	vand.u32 $0x7FF, v13;
	_ =	sdelay $0x1  }
0x24: {  	v11 =	vand.u32 $0xFFFFF000, v11;
	v14 =	vor.u32 s26, v0;
	s26 =	smov.u32 s28  }
.Ltmp0:
0x25: {  	v11 =	vor.u32 v14, v11;
	(pc) =	sbr.rel @p0 .LBB2_2-.Ltmp0, $4  }
0x26: {  	[tilespmem:v12+s16+$0x0] =	vst.idx.msk vm2, v11  }
0x27: {  	s31 =	sadd.s32 $0x10, s31;
	[tilespmem:v13+s17+$0x0] =	vst.idx.msk vm1, v14  }
0x28: {  	v11 =	vld [tilespmem:s31+$0x0]  }
0x29: {  	s28 =	sadd.s32 $0x10, s28  }
0x2a: {  	_ =	sdelay $0x2  }
0x2b: {  	v12 =	vand.u32 $0xFFF, v11  }
0x2c: {  	v13 =	vsub.s32 v12, v1  }
0x2d: {  	vm1 =	vlt.u32 v13, $0x20  }
0x2e: {  	v56 =	vshrl.u32 v11, $0xC;
	v57 =	vand.u32 $0x1F, v11;
	vm2 =	veq.s32 v12, $0xFFF  }
0x2f: {  	v13 =	vand.u32 $0x7FF, v56;
	_ =	sdelay $0x1  }
0x30: {  	v14 =	vor.u32 s26, v0;
	v11 =	vand.u32 $0xFFFFF000, v11  }
0x31: {  	v11 =	vor.u32 v14, v11  }
0x32: {  	[tilespmem:v57+s16+$0x0] =	vst.idx.msk vm1, v11  }
0x33: {  	[tilespmem:v13+s17+$0x0] =	vst.idx.msk vm2, v14  }
0x34: {  	v11 =	vld.idx.msk [tilespmem:v4+s15+$0x0], $0xffff;
	_ =	sdelay $0x3  }
0x35: {  	v12 =	vld [tilespmem:$0x800]  }
0x36: {  	v58 =	vshra.s32 v11, $0x8  }
0x37: {  	v59 =	vsub.s32 v2, v58  }
0x38: {  	v14 =	vand.u32 $0x7FF, v59;
	_ =	sdelay $0x1  }
0x39: {  	v15 =	vand.u32 $0xFFF, v12  }
0x3a: {  	v60 =	vld [tilespmem:$0x810];
	v12 =	vand.u32 $0xFFFFF000, v12;
	[tilespmem:$0x1100] =	vst v15  }
0x3b: {  	[tilespmem:$0x1200] =	vst v12  }
0x3c: {  	v12 =	vld.idx.msk [tilespmem:v14+s17+$0x0], $0xffff  }
0x3d: {  	v13 =	vsub.s32 v3, v58  }
0x3e: {  	v13 =	vand.u32 $0x7FF, v13  }
0x3f: {  	v11 =	vand.u32 $0xFF, v11;
	v61 =	vand.u32 $0xFFF, v60  }
0x40: {  	vm1 =	vlt.u32 v5, v11;
	[tilespmem:$0x1180] =	vst v61;
	v14 =	vand.u32 $0xFFFFF000, v60  }
0x41: {  	[tilespmem:$0x1210] =	vst v14;
	v12 =	vsel vm1, v15, v12  }
0x42: {  	[tilespmem:$0x1280] =	vst v12  }
0x43: {  	v13 =	vld.idx.msk [tilespmem:v13+s17+$0x0], $0xffff;
	_ =	sdelay $0x3  }
0x44: {  	vm1 =	vlt.u32 v6, v11  }
0x45: {  	v11 =	vsel vm1, v61, v13  }
0x46: {  	s28 =	simm.s32 $0x1200;
	[tilespmem:$0x1290] =	vst v11  }
0x47: {  	[hbm4b:s6+s3] =	stream.linear.scatter [tilespmem:s28], [sflag:$0x4], $0x20, $0x38;
	[tilespmem:$0x9300] =	vst v63  }
0x48: {  	_ =	swait.ge [sflag:s14], $0x20  }
0x49: {  	[sflag:s14] =	ssyncset.done $0x0  }
0x4a: {  	s31 =	simm.s32 $0x1280;
	[sflag:s14] =	ssyncadd.s32 $0xFFFFFFE0  }
0x4b: {  	[hbm4b:s7+s3] =	stream.linear.scatter [tilespmem:s31], [sflag:$0x4], $0x20, $0x38;
	[tilespmem:$0x9300] =	vst v63  }
0x4c: {  	_ =	swait.ge [sflag:s14], $0x20  }
0x4d: {  	[sflag:s14] =	ssyncset.done $0x0  }
0x4e: {  	[sflag:s14] =	ssyncadd.s32 $0xFFFFFFE0  }
0x4f: {  	v11 =	vld [tilespmem:$0x1100];
	_ =	sdelay $0x4  }
0x50: {  	v62 =	vshll.u32 v11, $0x3  }
0x51: {  	v11 =	vand.u32 $0x7, v11;
	v12 =	vand.u32 $0xFFFFFFC0, v62  }
0x52: {  	v11 =	vor.u32 v11, v12  }
0x53: {  	v12 =	vperm.xlane v11, v8;
	_ =	sdelay $0x1  }
0x54: {  	v12 =	vadd.s32 v9, v12;
	_ =	sdelay $0x4  }
0x55: {  	[tilespmem:s20], [sflag:$0x1] =	stream.indirect_vreg.gather [hbm4b:s1+s3], $0x80, v12, vm0, $0xb8;
	[tilespmem:$0x9300] =	vst v63  }
0x56: {  	s28 =	simm.s32 $0x1B00;
	v11 =	vperm.xlane v11, v10  }
0x57: {  	[tilespmem:s28], [sflag:$0x1] =	stream.indirect_vreg.gather [hbm4b:s8+s3], $0x80, v12, vm0, $0xb8;
	[tilespmem:$0x9300] =	vst v63  }
0x58: {  	s31 =	simm.s32 $0x2300;
	v11 =	vadd.s32 v9, v11  }
0x59: {  	[tilespmem:s31], [sflag:$0x1] =	stream.indirect_vreg.gather [hbm4b:s9+s3], $0x80, v12, vm0, $0xb8;
	[tilespmem:$0x9300] =	vst v63  }
0x5a: {  	s28 =	simm.s32 $0x2B00  }
0x5b: {  	[tilespmem:s28], [sflag:$0x1] =	stream.indirect_vreg.gather [hbm4b:s10+s3], $0x80, v12, vm0, $0xb8;
	[tilespmem:$0x9300] =	vst v63  }
0x5c: {  	s31 =	simm.s32 $0x3300  }
0x5d: {  	[tilespmem:s31], [sflag:$0x1] =	stream.indirect_vreg.gather [hbm4b:s1+s3], $0x80, v11, vm0, $0xb8;
	[tilespmem:$0x9300] =	vst v63  }
0x5e: {  	s28 =	simm.s32 $0x3B00  }
0x5f: {  	[tilespmem:s28], [sflag:$0x1] =	stream.indirect_vreg.gather [hbm4b:s8+s3], $0x80, v11, vm0, $0xb8;
	[tilespmem:$0x9300] =	vst v63  }
0x60: {  	s31 =	simm.s32 $0x4300  }
0x61: {  	[tilespmem:s31], [sflag:$0x1] =	stream.indirect_vreg.gather [hbm4b:s9+s3], $0x80, v11, vm0, $0xb8;
	[tilespmem:$0x9300] =	vst v63  }
0x62: {  	s28 =	simm.s32 $0x4B00  }
0x63: {  	[tilespmem:s28], [sflag:$0x1] =	stream.indirect_vreg.gather [hbm4b:s10+s3], $0x80, v11, vm0, $0xb8;
	[tilespmem:$0x9300] =	vst v63  }
0x64: {  	_ =	swait.ge [sflag:s29], $0x4000  }
0x65: {  	[sflag:s29] =	ssyncset.done $0x0  }
0x66: {  	[sflag:s29] =	ssyncadd.s32 $0xFFFFC000  }
0x67: {  	[hbm4b:s11+s3] =	stream.linear.scatter [tilespmem:s20], [sflag:$0x2], $0x4000, $0x38;
	[tilespmem:$0x9300] =	vst v63  }
0x68: {  	v11 =	vld [tilespmem:$0x1180];
	_ =	sdelay $0x4  }
0x69: {  	v63 =	vshll.u32 v11, $0x3  }
0x6a: {  	v11 =	vand.u32 $0x7, v11;
	v12 =	vand.u32 $0xFFFFFFC0, v63  }
0x6b: {  	v11 =	vor.u32 v11, v12  }
0x6c: {  	v12 =	vperm.xlane v11, v8;
	_ =	sdelay $0x1  }
0x6d: {  	v12 =	vadd.s32 v9, v12;
	_ =	sdelay $0x4  }
0x6e: {  	[tilespmem:s30], [sflag:$0x1] =	stream.indirect_vreg.gather [hbm4b:s1+s3], $0x80, v12, vm0, $0xb8;
	[tilespmem:$0x9300] =	vst v63  }
0x6f: {  	s31 =	simm.s32 $0x5B00;
	v11 =	vperm.xlane v11, v10  }
0x70: {  	[tilespmem:s31], [sflag:$0x1] =	stream.indirect_vreg.gather [hbm4b:s8+s3], $0x80, v12, vm0, $0xb8;
	[tilespmem:$0x9300] =	vst v63  }
0x71: {  	v11 =	vadd.s32 v9, v11  }
0x72: {  	[tilespmem:s0], [sflag:$0x1] =	stream.indirect_vreg.gather [hbm4b:s9+s3], $0x80, v12, vm0, $0xb8;
	[tilespmem:$0x9300] =	vst v63  }
0x73: {  	_ = 	snop  }
0x74: {  	[tilespmem:s2], [sflag:$0x1] =	stream.indirect_vreg.gather [hbm4b:s10+s3], $0x80, v12, vm0, $0xb8;
	[tilespmem:$0x9300] =	vst v63  }
0x75: {  	_ = 	snop  }
0x76: {  	[tilespmem:s18], [sflag:$0x1] =	stream.indirect_vreg.gather [hbm4b:s1+s3], $0x80, v11, vm0, $0xb8;
	[tilespmem:$0x9300] =	vst v63  }
0x77: {  	_ = 	snop  }
0x78: {  	[tilespmem:s19], [sflag:$0x1] =	stream.indirect_vreg.gather [hbm4b:s8+s3], $0x80, v11, vm0, $0xb8;
	[tilespmem:$0x9300] =	vst v63  }
0x79: {  	_ = 	snop  }
0x7a: {  	[tilespmem:s21], [sflag:$0x1] =	stream.indirect_vreg.gather [hbm4b:s9+s3], $0x80, v11, vm0, $0xb8;
	[tilespmem:$0x9300] =	vst v63  }
0x7b: {  	_ = 	snop  }
0x7c: {  	[tilespmem:s22], [sflag:$0x1] =	stream.indirect_vreg.gather [hbm4b:s10+s3], $0x80, v11, vm0, $0xb8;
	[tilespmem:$0x9300] =	vst v63  }
0x7d: {  	_ =	swait.ge [sflag:s29], $0x4000  }
0x7e: {  	[sflag:s29] =	ssyncset.done $0x0  }
0x7f: {  	s25 =	sadd.s32 $0x1, s25;
	[sflag:s29] =	ssyncadd.s32 $0xFFFFC000  }
0x80: {  	[hbm4b:s12+s3] =	stream.linear.scatter [tilespmem:s30], [sflag:$0x3], $0x4000, $0x38;
	[tilespmem:$0x9300] =	vst v63  }
0x81: {  	p0 =	sne.s32 s25, s13;
	_ =	swait.ge [sflag:s23], $0x4000  }
.Ltmp1:
0x82: {  	[sflag:s23] =	ssyncset.done $0x0;
	(pc) =	sbr.rel @p0 .LBB2_1-.Ltmp1, $4  }
0x83: {  	[sflag:s23] =	ssyncadd.s32 $0xFFFFC000  }
0x84: {  	_ =	swait.ge [sflag:s24], $0x4000  }
0x85: {  	[sflag:s24] =	ssyncset.done $0x0  }
0x86: {  	[sflag:s24] =	ssyncadd.s32 $0xFFFFC000  }
0x87: {  	_ =	sfence.sel $0x180000  }
0x88: {  	[bflag:$0x0] =	sbarrier.arrive $0xFFFF  }
0x89: {  	_ =	strace $0x90000047  }
0x8a: {  	s0 =	stileid.u32;
	[bflag:$0x2] =	sbarrier.arrive $0xFFFF  }
0x8b: {  	p0 =	sne.s32 s0, $0x0;
	s0 =	rddreg [dreg:$0x2]  }
0x8c: {  	s0 =	sadd.s32 @!p0 $0x100000, s0  }
0x8d: {  	[sflag:s0] =	ssyncadd.tile.s32 @!p0 $0x1;
	_ =	shalt  }
.Lfunc_end2:
_tile_overlayer_lowered:
.L_overlay_start_2:
0x8e: {  	(tag) =	ssettag $0x2  }
0x8f: {  	s0 =	rddreg [dreg:$0x0];
	s2 =	stileid.u32  }
0x90: {  	s1 =	rddreg [dreg:$0x1];
	p0 =	sne.s32 s2, $0x0  }
0x91: {  	s3 =	rddreg [dreg:$0x2];
	[bflag:$0x3] =	sbarrier.arrive $0xFFFF;
	s2 =	simm.s32 @!p0 $0x1C04  }
0x92: {  	[timem:s3], [sflag:s2] =	dma.local @!p0 [hbm:s0], s1  }
0x93: {  	s0 =	simm.s32 @!p0 $0x4  }
0x94: {  	_ =	swait.ge @!p0 [sflag:s0], s1  }
0x95: {  	s1 =	ssub.s32 @!p0 $0x0, s1;
	[sflag:s0] =	ssyncset.done @!p0 $0x0  }
0x96: {  	[sflag:s0] =	ssyncadd.s32 @!p0 s1  }
0x97: {  	[bflag:$0x3] =	sbarrier.arrive $0xFFFF  }
0x98: {  	_ =	shalt  }

// kernel: dispatch1.3.cloned.1.call-start
scs
__scs_entry_jumppad:
0x0: {  	(pc) =	sbr.rel $0x88, $3  }
0x1: {  	(tag) =	ssettag $0x0;
	lr =	simm.s32 $0x1  }
0x2: {  	[smem:$0x3F9B] =	sst lr;
	_ =	strace $0xD0000000  }
0x3: {  	_ = 	snop  }
0x4: {  	_ = 	snop  }
0x5: {  	_ = 	snop  }
0x6: {  	_ = 	snop  }
0x7: {  	_ = 	snop  }
__scs_overlays_trampoline_lowered:
0x8: {  	[smem:$0x3FAA] =	sst s0  }
0x9: {  	[smem:$0x3FAB] =	sst s1  }
0xa: {  	[smem:$0x3FAC] =	sst s2  }
0xb: {  	[smem:$0x3FAD] =	sst s3  }
0xc: {  	[smem:$0x3FAE] =	sst s4  }
0xd: {  	[smem:$0x3FAF] =	sst s5  }
0xe: {  	[smem:$0x3FB0] =	sst s6  }
0xf: {  	[smem:$0x3FB1] =	sst s7  }
0x10: {  	[smem:$0x3FB2] =	sst s8  }
0x11: {  	[smem:$0x3FB3] =	sst s9;
	s0 =	simm.s32 @!p0 $0x0  }
0x12: {  	s1 =	sld [smem:$0x3F99];
	s0 =	simm.s32 @p0 $0x1  }
0x13: {  	[smem:$0x3FB4] =	sst s0;
	s0 =	simm.s32 @!p1 $0x0  }
0x14: {  	s2 =	sld [smem:$0x3F98];
	s0 =	simm.s32 @p1 $0x1  }
0x15: {  	[smem:$0x3FB5] =	sst s0;
	s0 =	simm.s32 @!p2 $0x0  }
0x16: {  	s3 =	sld [smem:$0x3FDB];
	s0 =	simm.s32 @p2 $0x1  }
0x17: {  	s4 =	simm.s32 $0x1BF5;
	[smem:$0x3FB7] =	sst s0  }
0x18: {  	s0 =	sld [smem:$0x3F9A];
	_ =	swait.ge [sflag:s4], $0x0  }
0x19: {  	s7 =	sld [smem:$0x3F9B]  }
0x1a: {  	s8 =	sadd.s32 $0xFFFFE003, lr  }
0x1b: {  	s9 =	sadd.s32 $0xFFFFFEF7, lr;
	s5 =	simm.s32 $0xFFFFFFFF;
	p2 =	slt.u32 s8, $0xFFFFF086  }
0x1c: {  	p1 =	slt.u32 s9, $0xF7A;
	s5 =	simm.s32 @!p2 $0x0  }
0x1d: {  	s5 =	simm.s32 @p1 $0x1;
	p0 =	seq.s32 s7, s2  }
0x1e: {  	s7 =	smul.u32 @!p0 $0xF7A, s2;
	p2 =	seq.s32 @!p0 s5, $0x0  }
0x1f: {  	s9 =	smul.u32 $0xF7A, s1;
	s8 =	simm.s32 @!p0 $0x1BF5;
	p2 =	por !p2, p0  }
0x20: {  	[sflag:s8] =	ssyncset.s32 @!p0 $0xFFFFF086;
	s6 =	sadd.s32 @!p0 s3, s7;
	s7 =	simm.s32 @!p0 $0x108  }
0x21: {  	s3 =	sadd.s32 s3, s9;
	s6 =	sadd.s32 @!p0 $0x88, s6;
	s7 =	simm.s32 @p2 $0x1082  }
0x22: {  	[simem:s7], [sflag:s8] =	dma.local @!p0 [hbm:s6], $0xF7A  }
0x23: {  	s9 =	sor.u32 $0xD0000000, s2;
	s6 =	simm.s32 $0x108;
	_ =	swait.ge @!p0 [sflag:s8], $0x0  }
0x24: {  	s3 =	sadd.s32 $0x88, s3;
	s6 =	simm.s32 @!p1 $0x1082;
	[sflag:s4] =	ssyncset.s32 $0xFFFFF086  }
0x25: {  	[simem:s6], [sflag:s4] =	dma.local [hbm:s3], $0xF7A  }
0x26: {  	[smem:$0x3F9B] =	sst s1;
	(tag) =	ssettag s2;
	_ =	strace s9  }
0x27: {  	s1 =	sld [smem:$0x3FAB]  }
0x28: {  	s2 =	sld [smem:$0x3FAC]  }
0x29: {  	s4 =	sld [smem:$0x3FAE]  }
0x2a: {  	p0 =	seq.s32 s5, $0x0;
	s5 =	sld [smem:$0x3FAF]  }
0x2b: {  	s6 =	sld [smem:$0x3FB0]  }
0x2c: {  	s7 =	sld [smem:$0x3FB1]  }
0x2d: {  	s3 =	simm.s32 $0x108;
	s8 =	sld [smem:$0x3FB2]  }
0x2e: {  	s3 =	simm.s32 @!p0 $0x1082;
	s9 =	sld [smem:$0x3FB3]  }
0x2f: {  	lr =	sadd.s32 s0, s3;
	s0 =	sld [smem:$0x3FAA]  }
0x30: {  	s3 =	sld [smem:$0x3FAD]  }
0x31: {  	[smem:$0x3FB6] =	sst s10  }
0x32: {  	s10 =	sld [smem:$0x3FB4];
	_ =	sdelay $0x3  }
0x33: {  	p0 =	seq.s32 s10, $0x1;
	s10 =	sld [smem:$0x3FB6];
	_ =	sdelay $0x3  }
0x34: {  	[smem:$0x3FB6] =	sst s10  }
0x35: {  	s10 =	sld [smem:$0x3FB5];
	_ =	sdelay $0x3  }
0x36: {  	p1 =	seq.s32 s10, $0x1;
	s10 =	sld [smem:$0x3FB6];
	_ =	sdelay $0x3  }
0x37: {  	[smem:$0x3FB6] =	sst s10  }
0x38: {  	s10 =	sld [smem:$0x3FB7]  }
0x39: {  	_ = 	snop;
	(pc) =	sbr.ind lr, $3  }
0x3a: {  	_ = 	snop  }
0x3b: {  	_ = 	snop  }
0x3c: {  	p2 =	seq.s32 s10, $0x1;
	s10 =	sld [smem:$0x3FB6]  }
0x3d: {  	_ =	shalt  }
0x3e: {  	_ =	shalt  }
0x3f: {  	_ =	shalt  }
0x40: {  	_ =	shalt  }
0x41: {  	_ =	shalt  }
0x42: {  	_ =	shalt  }
0x43: {  	_ =	shalt  }
0x44: {  	_ =	shalt  }
0x45: {  	_ =	shalt  }
0x46: {  	_ =	shalt  }
0x47: {  	_ =	shalt  }
0x48: {  	_ =	shalt  }
0x49: {  	_ =	shalt  }
0x4a: {  	_ =	shalt  }
0x4b: {  	_ =	shalt  }
0x4c: {  	_ =	shalt  }
0x4d: {  	_ =	shalt  }
0x4e: {  	_ =	shalt  }
0x4f: {  	_ =	shalt  }
0x50: {  	_ =	shalt  }
0x51: {  	_ =	shalt  }
0x52: {  	_ =	shalt  }
0x53: {  	_ =	shalt  }
0x54: {  	_ =	shalt  }
0x55: {  	_ =	shalt  }
0x56: {  	_ =	shalt  }
0x57: {  	_ =	shalt  }
0x58: {  	_ =	shalt  }
0x59: {  	_ =	shalt  }
0x5a: {  	_ =	shalt  }
0x5b: {  	_ =	shalt  }
0x5c: {  	_ =	shalt  }
0x5d: {  	_ =	shalt  }
0x5e: {  	_ =	shalt  }
0x5f: {  	_ =	shalt  }
0x60: {  	_ =	shalt  }
0x61: {  	_ =	shalt  }
0x62: {  	_ =	shalt  }
0x63: {  	_ =	shalt  }
0x64: {  	_ =	shalt  }
0x65: {  	_ =	shalt  }
0x66: {  	_ =	shalt  }
0x67: {  	_ =	shalt  }
0x68: {  	_ =	shalt  }
0x69: {  	_ =	shalt  }
0x6a: {  	_ =	shalt  }
0x6b: {  	_ =	shalt  }
0x6c: {  	_ =	shalt  }
0x6d: {  	_ =	shalt  }
0x6e: {  	_ =	shalt  }
0x6f: {  	_ =	shalt  }
0x70: {  	_ =	shalt  }
0x71: {  	_ =	shalt  }
0x72: {  	_ =	shalt  }
0x73: {  	_ =	shalt  }
0x74: {  	_ =	shalt  }
0x75: {  	_ =	shalt  }
0x76: {  	_ =	shalt  }
0x77: {  	_ =	shalt  }
0x78: {  	_ =	shalt  }
0x79: {  	_ =	shalt  }
0x7a: {  	_ =	shalt  }
0x7b: {  	_ =	shalt  }
0x7c: {  	_ =	shalt  }
0x7d: {  	_ =	shalt  }
0x7e: {  	_ =	shalt  }
0x7f: {  	_ =	shalt  }
0x80: {  	_ =	shalt  }
0x81: {  	_ =	shalt  }
0x82: {  	_ =	shalt  }
0x83: {  	_ =	shalt  }
0x84: {  	_ =	shalt  }
0x85: {  	_ =	shalt  }
0x86: {  	_ =	shalt  }
0x87: {  	_ =	shalt  }
.Lfunc_end0:
.L_simem_size_0:
called_computation.1_lowered:
.L_overlay_start_0:
0x88: {  	s2 =	sld [smem:$0x3FD9]  }
0x89: {  	s3 =	sld [smem:$0x3FFE];
	_ =	sdelay $0x1  }
0x8a: {  	s1 =	srdreg.scid  }
0x8b: {  	s0 =	sand.u32 $0x1, s1  }
0x8c: {  	s17 =	sshll.u32 s0, $0xA;
	s2 =	sadd.s32 s3, s2  }
0x8d: {  	s2 =	sadd.s32 s2, s17  }
0x8e: {  	[smem:$0x3FC2] =	sst s2  }
0x8f: {  	_ = 	snop  }
0x90: {  	s2 =	sld [smem:$0x3FC9];
	(tm) =	ssettm $0x1  }
0x91: {  	s18 =	sld [smem:$0x3FFB];
	_ =	sdelay $0x3  }
0x92: {  	_ =	strace s18  }
0x93: {  	s3 =	sld [smem:$0x3FFC];
	_ =	sdelay $0x3  }
0x94: {  	_ =	strace s3  }
0x95: {  	s3 =	sld [smem:$0x3FFD];
	_ =	sdelay $0x3  }
0x96: {  	_ =	strace s3  }
0x97: {  	_ =	strace $0x8FFFFFFF  }
0x98: {  	s19 =	sld [smem:$0x3FDB];
	_ =	sdelay $0x1  }
0x99: {  	s4 =	simm.s32 $_scs_section_size  }
0x9a: {  	s5 =	simm.s32 $_size__tile_overlayer_lowered;
	s6 =	simm.s32 $_tile_overlayer_lowered  }
0x9b: {  	s22 =	simm.s32 $0x1BFF;
	s21 =	sshll.u32 s6, $0x1;
	s3 =	sadd.s32 s4, s19  }
0x9c: {  	s7 =	simm.s32 $0x0;
	s20 =	sshll.u32 s5, $0x1;
	s5 =	sadd.s32 s21, s3  }
0x9d: {  	[timem:s7], [sflag:s22] =	dma.local [hbm:s5], s20  }
0x9e: {  	_ =	swait.ge [sflag:s22], s20  }
0x9f: {  	s4 =	ssub.s32 $0x0, s20;
	[sflag:s22] =	ssyncset.done $0x0  }
0xa0: {  	[sflag:s22] =	ssyncadd.s32 s4;
	_ =	sdelay $0x1  }
0xa1: {  	s23 =	simm.s32 $0x1B8B  }
0xa2: {  	_ =	swait.ge [sflag:s23], $0x1  }
0xa3: {  	[sflag:s23] =	ssyncset.done $0x0  }
0xa4: {  	s25 =	simm.s32 $0x1B8E;
	s24 =	sld [smem:$0x3FFE];
	[sflag:s23] =	ssyncadd.s32 $0xFFFFFFFF  }
0xa5: {  	s26 =	simm.s32 $execute0_lowered;
	[smem:$0x3FD2] =	sst s25  }
0xa6: {  	s5 =	sshll.u32 s26, $0x1;
	_ =	strace $0x80000049;
	[dreg:$0x1] =	wrdreg $0xFFFFFFFF  }
0xa7: {  	s28 =	simm.s32 $_size_execute0_lowered;
	s3 =	sadd.s32 s3, s5;
	[dreg:$0x0] =	wrdreg $0x0  }
0xa8: {  	s5 =	sshll.u32 s28, $0x1;
	[dreg:$0x2] =	wrdreg s3  }
0xa9: {  	[dreg:$0x3] =	wrdreg s5  }
0xaa: {  	[dreg:$0x4] =	wrdreg $0xC0  }
0xab: {  	_ =	task [dreg:s7], $0x5FFFF  }
0xac: {  	[dreg:$0x1] =	wrdreg $0xFFFFFFFF  }
0xad: {  	[dreg:$0x0] =	wrdreg $0x60  }
0xae: {  	[dreg:$0x2] =	wrdreg s2  }
0xaf: {  	[dreg:$0x3] =	wrdreg s24  }
0xb0: {  	[dreg:$0x4] =	wrdreg $0x9  }
0xb1: {  	_ =	task.clear_ibuf [dreg:s7], $0x5FFFF;
	_ =	strace $0x90000049  }
0xb2: {  	s29 =	simm.s32 $0x9;
	_ =	strace $0x8000004B  }
0xb3: {  	_ =	swait.ge [sflag:s29], $0x1  }
0xb4: {  	[sflag:s29] =	ssyncadd.s32 $0xFFFFFFFF  }
0xb5: {  	_ =	strace $0x9000004B  }
0xb6: {  	_ =	sfence  }
0xb7: {  	s30 =	sld [smem:$0x0];
	_ =	sdelay $0x2  }
0xb8: {  	s31 =	sshll.u32 s1, $0xD;
	s1 =	sshrl.u32 s1, $0x2  }
0xb9: {  	s3 =	sand.u32 $0x4000, s31;
	s1 =	sadd.s32 s1, s30  }
0xba: {  	s0 =	sor.u32 s3, s0;
	s1 =	sshll.u32 s1, $0x11  }
0xbb: {  	s0 =	sor.u32 s1, s0  }
0xbc: {  	s0 =	sadd.s32 $0x8F2B, s0  }
0xbd: {  	[sflag:s0] =	ssyncadd.remote.s32 $0x1  }
0xbe: {  	_ =	sfence.sel $0xFFFF  }
0xbf: {  	[dreg:$0x0] =	wrdreg $0xFFFFFFFF;
	(pc) =	sbr.abs _section_cstart, $3  }
0xc0: {  	[dreg:$0x1] =	wrdreg $0xFFFFFFFF  }
0xc1: {  	_ =	task.clear_ibuf [dreg:s7], $0x2FFFF;
	_ =	strace $0x9FFFFFFF  }
0xc2: {  	(tm) =	ssettm $0x7FFFFFFF  }
0xc3: {  	_ =	shalt  }
tec
execute0_lowered:
.L_overlay_start_1:
0x0: {  	(tag) =	ssettag $0x1  }
0x1: {  	s1 =	rddreg [dreg:$0x0]  }
0x2: {  	s0 =	rddreg [dreg:$0x1]  }
0x3: {  	s2 =	srdreg.scid;
	s3 =	simm.s32 $0x0;
	s4 =	stileid.u32  }
0x4: {  	s14 =	simm.s32 $0x4;
	s15 =	simm.s32 $0x1080;
	s16 =	simm.s32 $0x800  }
0x5: {  	s17 =	simm.s32 $0x880;
	s20 =	simm.s32 $0x1300;
	s29 =	simm.s32 $0x1  }
0x6: {  	s30 =	simm.s32 $0x5300;
	s22 =	simm.s32 $0x8B00;
	s23 =	simm.s32 $0x2  }
0x7: {  	s24 =	simm.s32 $0x3;
	s25 =	simm.s32 $0x0;
	s2 =	sand.u32 $0x1, s2  }
0x8: {  	[smem:$0x7FF] =	sst s3;
	s5 =	sshll.u32 s4, $0x6;
	s4 =	sadd.s32 $0x2E00, s0  }
0x9: {  	s9 =	sadd.s32 $0x200, s1;
	s10 =	sadd.s32 $0x300, s1;
	s6 =	sshll.u32 s2, $0x5  }
0xa: {  	_ =	strace $0x8000004A;
	s2 =	ssub.s32 $0x2, s2;
	s6 =	sor.u32 s6, s5  }
0xb: {  	s5 =	sadd.s32 $0x3000, s0;
	s8 =	sshrl.u32 s2, $0x1;
	s7 =	sshll.u32 s6, $0x7  }
0xc: {  	s31 =	sshrl.u32 s6, $0x3;
	s2 =	ssub.s32 s2, s8;
	s18 =	sor.u32 $0x400, s6  }
0xd: {  	v0 =	vlaneseq.u32;
	s21 =	sor.u32 $0x410, s6;
	s8 =	sadd.s32 $0x100, s1;
	s12 =	sadd.s32 s7, s0  }
0xe: {  	v7 =	vimm.s32 $0x0;
	vm0 =	vmmov $0xffff;
	v9 =	vshrl.u32 v0, $0x3;
	s0 =	sadd.s32 s31, s0;
	s19 =	sshrl.u32 s18, $0x7;
	s13 =	smax.u32 s2, $0x1  }
0xf: {  	v1 =	vmov s18;
	v2 =	vor.u32 s18, v0;
	v3 =	vor.u32 s21, v0;
	s2 =	simm.s32 $0x6B00;
	s18 =	simm.s32 $0x7300;
	s21 =	simm.s32 $0x8300  }
0x10: {  	v8 =	vand.u32 $0x7, v0;
	v10 =	vor.u32 $0x8, v0;
	v9 =	vmul.u32 $0x8, v9;
	s6 =	sadd.s32 $0x23600, s0;
	s7 =	sadd.s32 $0x43800, s0;
	s11 =	sadd.s32 $0x23800, s12  }
0x11: {  	s12 =	sadd.s32 $0x24000, s12;
	v4 =	vmov s19;
	v5 =	vand.u32 $0x6F, v2;
	v6 =	vand.u32 $0x7F, v3;
	s0 =	simm.s32 $0x6300;
	s19 =	simm.s32 $0x7B00  }
.LBB2_1:
0x12: {  	[tilespmem:s3], [sflag:$0x4] =	stream.linear.gather [hbm4b:s4+s3], $0x800, $0x38;
	[tilespmem:$0x9300] =	vst v63  }
0x13: {  	_ =	swait.ge [sflag:s14], $0x800  }
0x14: {  	[sflag:s14] =	ssyncset.done $0x0  }
0x15: {  	[sflag:s14] =	ssyncadd.s32 $0xFFFFF800  }
0x16: {  	[tilespmem:s15], [sflag:$0x4] =	stream.linear.gather [hbm4b:s5+s3], $0x80, $0x38;
	[tilespmem:$0x9300] =	vst v63  }
0x17: {  	_ =	swait.ge [sflag:s14], $0x80  }
0x18: {  	[sflag:s14] =	ssyncset.done $0x0  }
0x19: {  	[sflag:s14] =	ssyncadd.s32 $0xFFFFFF80  }
0x1a: {  	[tilespmem:$0x800] =	vst v7  }
0x1b: {  	[tilespmem:$0x810] =	vst v7  }
0x1c: {  	v11 =	vld [tilespmem:s3+$0x0]  }
0x1d: {  	s28 =	simm.s32 $0x10;
	s26 =	simm.s32 $0x0;
	s31 =	simm.s32 $0x0  }
.LBB2_2:
0x1e: {  	p0 =	sne.s32 s28, $0x7F0;
	_ =	sdelay $0x2  }
0x1f: {  	v12 =	vand.u32 $0xFFF, v11;
	v13 =	vshrl.u32 v11, $0xC  }
0x20: {  	v14 =	vsub.s32 v12, v1;
	vm1 =	veq.s32 v12, $0xFFF  }
0x21: {  	vm2 =	vlt.u32 v14, $0x20  }
0x22: {  	v12 =	vand.u32 $0x1F, v11  }
0x23: {  	v13 =	vand.u32 $0x7FF, v13;
	_ =	sdelay $0x1  }
0x24: {  	v11 =	vand.u32 $0xFFFFF000, v11;
	v14 =	vor.u32 s26, v0;
	s26 =	smov.u32 s28  }
.Ltmp0:
0x25: {  	v11 =	vor.u32 v14, v11;
	(pc) =	sbr.rel @p0 .LBB2_2-.Ltmp0, $4  }
0x26: {  	[tilespmem:v12+s16+$0x0] =	vst.idx.msk vm2, v11  }
0x27: {  	s31 =	sadd.s32 $0x10, s31;
	[tilespmem:v13+s17+$0x0] =	vst.idx.msk vm1, v14  }
0x28: {  	v11 =	vld [tilespmem:s31+$0x0]  }
0x29: {  	s28 =	sadd.s32 $0x10, s28  }
0x2a: {  	_ =	sdelay $0x2  }
0x2b: {  	v12 =	vand.u32 $0xFFF, v11  }
0x2c: {  	v13 =	vsub.s32 v12, v1  }
0x2d: {  	vm1 =	vlt.u32 v13, $0x20  }
0x2e: {  	v56 =	vshrl.u32 v11, $0xC;
	v57 =	vand.u32 $0x1F, v11;
	vm2 =	veq.s32 v12, $0xFFF  }
0x2f: {  	v13 =	vand.u32 $0x7FF, v56;
	_ =	sdelay $0x1  }
0x30: {  	v14 =	vor.u32 s26, v0;
	v11 =	vand.u32 $0xFFFFF000, v11  }
0x31: {  	v11 =	vor.u32 v14, v11  }
0x32: {  	[tilespmem:v57+s16+$0x0] =	vst.idx.msk vm1, v11  }
0x33: {  	[tilespmem:v13+s17+$0x0] =	vst.idx.msk vm2, v14  }
0x34: {  	v11 =	vld.idx.msk [tilespmem:v4+s15+$0x0], $0xffff;
	_ =	sdelay $0x3  }
0x35: {  	v12 =	vld [tilespmem:$0x800]  }
0x36: {  	v58 =	vshra.s32 v11, $0x8  }
0x37: {  	v59 =	vsub.s32 v2, v58  }
0x38: {  	v14 =	vand.u32 $0x7FF, v59;
	_ =	sdelay $0x1  }
0x39: {  	v15 =	vand.u32 $0xFFF, v12  }
0x3a: {  	v60 =	vld [tilespmem:$0x810];
	v12 =	vand.u32 $0xFFFFF000, v12;
	[tilespmem:$0x1100] =	vst v15  }
0x3b: {  	[tilespmem:$0x1200] =	vst v12  }
0x3c: {  	v12 =	vld.idx.msk [tilespmem:v14+s17+$0x0], $0xffff  }
0x3d: {  	v13 =	vsub.s32 v3, v58  }
0x3e: {  	v13 =	vand.u32 $0x7FF, v13  }
0x3f: {  	v11 =	vand.u32 $0xFF, v11;
	v61 =	vand.u32 $0xFFF, v60  }
0x40: {  	vm1 =	vlt.u32 v5, v11;
	[tilespmem:$0x1180] =	vst v61;
	v14 =	vand.u32 $0xFFFFF000, v60  }
0x41: {  	[tilespmem:$0x1210] =	vst v14;
	v12 =	vsel vm1, v15, v12  }
0x42: {  	[tilespmem:$0x1280] =	vst v12  }
0x43: {  	v13 =	vld.idx.msk [tilespmem:v13+s17+$0x0], $0xffff;
	_ =	sdelay $0x3  }
0x44: {  	vm1 =	vlt.u32 v6, v11  }
0x45: {  	v11 =	vsel vm1, v61, v13  }
0x46: {  	s28 =	simm.s32 $0x1200;
	[tilespmem:$0x1290] =	vst v11  }
0x47: {  	[hbm4b:s6+s3] =	stream.linear.scatter [tilespmem:s28], [sflag:$0x4], $0x20, $0x38;
	[tilespmem:$0x9300] =	vst v63  }
0x48: {  	_ =	swait.ge [sflag:s14], $0x20  }
0x49: {  	[sflag:s14] =	ssyncset.done $0x0  }
0x4a: {  	s31 =	simm.s32 $0x1280;
	[sflag:s14] =	ssyncadd.s32 $0xFFFFFFE0  }
0x4b: {  	[hbm4b:s7+s3] =	stream.linear.scatter [tilespmem:s31], [sflag:$0x4], $0x20, $0x38;
	[tilespmem:$0x9300] =	vst v63  }
0x4c: {  	_ =	swait.ge [sflag:s14], $0x20  }
0x4d: {  	[sflag:s14] =	ssyncset.done $0x0  }
0x4e: {  	[sflag:s14] =	ssyncadd.s32 $0xFFFFFFE0  }
0x4f: {  	v11 =	vld [tilespmem:$0x1100];
	_ =	sdelay $0x4  }
0x50: {  	v62 =	vshll.u32 v11, $0x3  }
0x51: {  	v11 =	vand.u32 $0x7, v11;
	v12 =	vand.u32 $0xFFFFFFC0, v62  }
0x52: {  	v11 =	vor.u32 v11, v12  }
0x53: {  	v12 =	vperm.xlane v11, v8;
	_ =	sdelay $0x1  }
0x54: {  	v12 =	vadd.s32 v9, v12;
	_ =	sdelay $0x4  }
0x55: {  	[tilespmem:s20], [sflag:$0x1] =	stream.indirect_vreg.gather [hbm4b:s1+s3], $0x80, v12, vm0, $0xb8;
	[tilespmem:$0x9300] =	vst v63  }
0x56: {  	s28 =	simm.s32 $0x1B00;
	v11 =	vperm.xlane v11, v10  }
0x57: {  	[tilespmem:s28], [sflag:$0x1] =	stream.indirect_vreg.gather [hbm4b:s8+s3], $0x80, v12, vm0, $0xb8;
	[tilespmem:$0x9300] =	vst v63  }
0x58: {  	s31 =	simm.s32 $0x2300;
	v11 =	vadd.s32 v9, v11  }
0x59: {  	[tilespmem:s31], [sflag:$0x1] =	stream.indirect_vreg.gather [hbm4b:s9+s3], $0x80, v12, vm0, $0xb8;
	[tilespmem:$0x9300] =	vst v63  }
0x5a: {  	s28 =	simm.s32 $0x2B00  }
0x5b: {  	[tilespmem:s28], [sflag:$0x1] =	stream.indirect_vreg.gather [hbm4b:s10+s3], $0x80, v12, vm0, $0xb8;
	[tilespmem:$0x9300] =	vst v63  }
0x5c: {  	s31 =	simm.s32 $0x3300  }
0x5d: {  	[tilespmem:s31], [sflag:$0x1] =	stream.indirect_vreg.gather [hbm4b:s1+s3], $0x80, v11, vm0, $0xb8;
	[tilespmem:$0x9300] =	vst v63  }
0x5e: {  	s28 =	simm.s32 $0x3B00  }
0x5f: {  	[tilespmem:s28], [sflag:$0x1] =	stream.indirect_vreg.gather [hbm4b:s8+s3], $0x80, v11, vm0, $0xb8;
	[tilespmem:$0x9300] =	vst v63  }
0x60: {  	s31 =	simm.s32 $0x4300  }
0x61: {  	[tilespmem:s31], [sflag:$0x1] =	stream.indirect_vreg.gather [hbm4b:s9+s3], $0x80, v11, vm0, $0xb8;
	[tilespmem:$0x9300] =	vst v63  }
0x62: {  	s28 =	simm.s32 $0x4B00  }
0x63: {  	[tilespmem:s28], [sflag:$0x1] =	stream.indirect_vreg.gather [hbm4b:s10+s3], $0x80, v11, vm0, $0xb8;
	[tilespmem:$0x9300] =	vst v63  }
0x64: {  	_ =	swait.ge [sflag:s29], $0x4000  }
0x65: {  	[sflag:s29] =	ssyncset.done $0x0  }
0x66: {  	[sflag:s29] =	ssyncadd.s32 $0xFFFFC000  }
0x67: {  	[hbm4b:s11+s3] =	stream.linear.scatter [tilespmem:s20], [sflag:$0x2], $0x4000, $0x38;
	[tilespmem:$0x9300] =	vst v63  }
0x68: {  	v11 =	vld [tilespmem:$0x1180];
	_ =	sdelay $0x4  }
0x69: {  	v63 =	vshll.u32 v11, $0x3  }
0x6a: {  	v11 =	vand.u32 $0x7, v11;
	v12 =	vand.u32 $0xFFFFFFC0, v63  }
0x6b: {  	v11 =	vor.u32 v11, v12  }
0x6c: {  	v12 =	vperm.xlane v11, v8;
	_ =	sdelay $0x1  }
0x6d: {  	v12 =	vadd.s32 v9, v12;
	_ =	sdelay $0x4  }
0x6e: {  	[tilespmem:s30], [sflag:$0x1] =	stream.indirect_vreg.gather [hbm4b:s1+s3], $0x80, v12, vm0, $0xb8;
	[tilespmem:$0x9300] =	vst v63  }
0x6f: {  	s31 =	simm.s32 $0x5B00;
	v11 =	vperm.xlane v11, v10  }
0x70: {  	[tilespmem:s31], [sflag:$0x1] =	stream.indirect_vreg.gather [hbm4b:s8+s3], $0x80, v12, vm0, $0xb8;
	[tilespmem:$0x9300] =	vst v63  }
0x71: {  	v11 =	vadd.s32 v9, v11  }
0x72: {  	[tilespmem:s0], [sflag:$0x1] =	stream.indirect_vreg.gather [hbm4b:s9+s3], $0x80, v12, vm0, $0xb8;
	[tilespmem:$0x9300] =	vst v63  }
0x73: {  	_ = 	snop  }
0x74: {  	[tilespmem:s2], [sflag:$0x1] =	stream.indirect_vreg.gather [hbm4b:s10+s3], $0x80, v12, vm0, $0xb8;
	[tilespmem:$0x9300] =	vst v63  }
0x75: {  	_ = 	snop  }
0x76: {  	[tilespmem:s18], [sflag:$0x1] =	stream.indirect_vreg.gather [hbm4b:s1+s3], $0x80, v11, vm0, $0xb8;
	[tilespmem:$0x9300] =	vst v63  }
0x77: {  	_ = 	snop  }
0x78: {  	[tilespmem:s19], [sflag:$0x1] =	stream.indirect_vreg.gather [hbm4b:s8+s3], $0x80, v11, vm0, $0xb8;
	[tilespmem:$0x9300] =	vst v63  }
0x79: {  	_ = 	snop  }
0x7a: {  	[tilespmem:s21], [sflag:$0x1] =	stream.indirect_vreg.gather [hbm4b:s9+s3], $0x80, v11, vm0, $0xb8;
	[tilespmem:$0x9300] =	vst v63  }
0x7b: {  	_ = 	snop  }
0x7c: {  	[tilespmem:s22], [sflag:$0x1] =	stream.indirect_vreg.gather [hbm4b:s10+s3], $0x80, v11, vm0, $0xb8;
	[tilespmem:$0x9300] =	vst v63  }
0x7d: {  	_ =	swait.ge [sflag:s29], $0x4000  }
0x7e: {  	[sflag:s29] =	ssyncset.done $0x0  }
0x7f: {  	s25 =	sadd.s32 $0x1, s25;
	[sflag:s29] =	ssyncadd.s32 $0xFFFFC000  }
0x80: {  	[hbm4b:s12+s3] =	stream.linear.scatter [tilespmem:s30], [sflag:$0x3], $0x4000, $0x38;
	[tilespmem:$0x9300] =	vst v63  }
0x81: {  	p0 =	sne.s32 s25, s13;
	_ =	swait.ge [sflag:s23], $0x4000  }
.Ltmp1:
0x82: {  	[sflag:s23] =	ssyncset.done $0x0;
	(pc) =	sbr.rel @p0 .LBB2_1-.Ltmp1, $4  }
0x83: {  	[sflag:s23] =	ssyncadd.s32 $0xFFFFC000  }
0x84: {  	_ =	swait.ge [sflag:s24], $0x4000  }
0x85: {  	[sflag:s24] =	ssyncset.done $0x0  }
0x86: {  	[sflag:s24] =	ssyncadd.s32 $0xFFFFC000  }
0x87: {  	_ =	sfence.sel $0x180000  }
0x88: {  	[bflag:$0x0] =	sbarrier.arrive $0xFFFF  }
0x89: {  	_ =	strace $0x9000004A  }
0x8a: {  	s0 =	stileid.u32;
	[bflag:$0x2] =	sbarrier.arrive $0xFFFF  }
0x8b: {  	p0 =	sne.s32 s0, $0x0;
	s0 =	rddreg [dreg:$0x2]  }
0x8c: {  	s0 =	sadd.s32 @!p0 $0x100000, s0  }
0x8d: {  	[sflag:s0] =	ssyncadd.tile.s32 @!p0 $0x1;
	_ =	shalt  }
.Lfunc_end2:
_tile_overlayer_lowered:
.L_overlay_start_2:
0x8e: {  	(tag) =	ssettag $0x2  }
0x8f: {  	s0 =	rddreg [dreg:$0x0];
	s2 =	stileid.u32  }
0x90: {  	s1 =	rddreg [dreg:$0x1];
	p0 =	sne.s32 s2, $0x0  }
0x91: {  	s3 =	rddreg [dreg:$0x2];
	[bflag:$0x3] =	sbarrier.arrive $0xFFFF;
	s2 =	simm.s32 @!p0 $0x1C04  }
0x92: {  	[timem:s3], [sflag:s2] =	dma.local @!p0 [hbm:s0], s1  }
0x93: {  	s0 =	simm.s32 @!p0 $0x4  }
0x94: {  	_ =	swait.ge @!p0 [sflag:s0], s1  }
0x95: {  	s1 =	ssub.s32 @!p0 $0x0, s1;
	[sflag:s0] =	ssyncset.done @!p0 $0x0  }
0x96: {  	[sflag:s0] =	ssyncadd.s32 @!p0 s1  }
0x97: {  	[bflag:$0x3] =	sbarrier.arrive $0xFFFF  }
0x98: {  	_ =	shalt  }

</sc_bundles>
